<compile_context>
chip_gen: v7x
topology: tpu7x:2x2x1
jax: 0.10.2.dev20260603
libtpu: 0.0.44.dev20260713+nightly
codegen_flags: <defaults>
</compile_context>

<pallas_src>
import jax
import jax.numpy as jnp
from jax.experimental import pallas as pl
from jax.experimental.pallas import tpu as pltpu

NEG = -3e38
ROWS = 8


def _shift_right(x, d, fill):
    rolled = jnp.roll(x, d, axis=-1)
    lane = jax.lax.broadcasted_iota(jnp.int32, x.shape, x.ndim - 1)
    return jnp.where(lane < d, fill, rolled)


def _cummax_j(x):
    for d in (1, 2, 4, 8, 16, 32, 64):
        x = jnp.maximum(x, _shift_right(x, d, NEG))
    return x


def _row_update(row, half_a, b, M):
    half_b = 0.5 * b
    S = jax.lax.dot_general(
        half_b, M, (((1,), (0,)), ((), ())),
        preferred_element_type=jnp.float32,
    )
    tmp = row + half_a
    cand_up = tmp + half_b
    cand_diag = _shift_right(tmp, 1, NEG) + half_b
    base = jnp.maximum(cand_up, cand_diag)
    return S + _cummax_j(base - S), half_b


def _dp_kernel(img_ref, m_ref, out_ref, row_ref, prev_ref):
    Bb, RJ = img_ref.shape
    J = m_ref.shape[0]
    R = RJ // J
    t = pl.program_id(1)
    M = m_ref[:, :]

    def img_row(r):
        return img_ref[:, r * J : (r + 1) * J]

    @pl.when(t == 0)
    def _init():
        r0 = img_row(0)
        half_r0 = 0.5 * r0
        S0 = jax.lax.dot_general(
            half_r0, M, (((1,), (0,)), ((), ())),
            preferred_element_type=jnp.float32,
        )
        row = S0 + (r0[:, 0:1] - S0[:, 0:1])
        half_a = half_r0
        for r in range(1, R):
            row, half_a = _row_update(row, half_a, img_row(r), M)
        row_ref[:, :] = row
        prev_ref[:, :] = half_a

    @pl.when(t != 0)
    def _step():
        row = row_ref[:, :]
        half_a = prev_ref[:, :]
        for r in range(R):
            row, half_a = _row_update(row, half_a, img_row(r), M)
        row_ref[:, :] = row
        prev_ref[:, :] = half_a

    out_ref[:, :] = row_ref[:, J - 1 : J]


@jax.jit
def kernel(images):
    B, I, J = images.shape
    Bb = 512
    nb = B // Bb
    grid = (nb, I // ROWS)
    flat = images.reshape(B, I * J)
    k = jnp.arange(J)
    M = (2.0 * (k[:, None] < k[None, :]) + (k[:, None] == k[None, :])).astype(
        jnp.float32
    )
    out = pl.pallas_call(
        _dp_kernel,
        grid=grid,
        in_specs=[
            pl.BlockSpec((Bb, ROWS * J), lambda b, t: (b, t)),
            pl.BlockSpec((J, J), lambda b, t: (0, 0)),
        ],
        out_specs=pl.BlockSpec((Bb, 1), lambda b, t: (b, 0)),
        out_shape=jax.ShapeDtypeStruct((B, 1), jnp.float32),
        scratch_shapes=[
            pltpu.VMEM((Bb, J), jnp.float32),
            pltpu.VMEM((Bb, J), jnp.float32),
        ],
        compiler_params=pltpu.CompilerParams(
            dimension_semantics=("arbitrary", "arbitrary"),
        ),
    )(flat, M)
    return out[:, 0]

# --- scband reference (transcript-rebuilt; emitter-appended) ---
"""Pipeline reference for scband-dplayer-89773406421536 (READ-ONLY COPY).

The authoritative reference and input builder live on the scoring server;
editing this copy changes nothing except your own understanding.
"""

import jax, jax.numpy as jnp
import numpy as np

MAX_OP = True  # max_op=True -> null = -inf, longest-path / max-plus DP


def setup_inputs(seed: int = 0):
    key = jax.random.key(seed)
    images = jax.random.normal(key, (1024, 128, 128), dtype=jnp.float32)
    return {"images": images}


def _dp_forward(images):
    # GraphLayer with edge_f='avg': edge potential = mean of endpoint pixel values.
    # Grid DAG from make_graph(max_i, max_j): moves down, right, diagonal.
    B, I, J = images.shape
    th_down = 0.5 * (images[:, :-1, :] + images[:, 1:, :])      # [B, I-1, J]
    th_right = 0.5 * (images[:, :, :-1] + images[:, :, 1:])     # [B, I, J-1]
    th_diag = 0.5 * (images[:, :-1, :-1] + images[:, 1:, 1:])   # [B, I-1, J-1]

    # Row 0: only right moves -> cumulative sum. D[0,0] = images[:,0,0].
    row0 = jnp.cumsum(jnp.concatenate([images[:, 0, :1], th_right[:, 0, :]], axis=1), axis=1)  # [B, J]

    # Per-row inputs for rows i = 1..I-1, scan axis leading.
    thd_rows = jnp.swapaxes(th_down, 0, 1)             # [I-1, B, J]
    thdg_rows = jnp.swapaxes(th_diag, 0, 1)            # [I-1, B, J-1]
    thr_rows = jnp.swapaxes(th_right[:, 1:, :], 0, 1)  # [I-1, B, J-1]

    combine = jnp.maximum if MAX_OP else jnp.minimum

    def row_step(prev_row, xs):
        thd, thdg, thr = xs  # [B,J], [B,J-1], [B,J-1]
        cand_up = prev_row + thd                          # from (i-1, j)
        cand_diag = prev_row[:, :-1] + thdg               # from (i-1, j-1), valid j>=1
        base = cand_up.at[:, 1:].set(combine(cand_up[:, 1:], cand_diag))  # [B, J]

        def col_step(left, xs2):
            b_j, thr_j = xs2
            cur = combine(b_j, left + thr_j)              # also allow from (i, j-1)
            return cur, cur

        first = base[:, 0]
        bs = jnp.swapaxes(base[:, 1:], 0, 1)   # [J-1, B]
        thrs = jnp.swapaxes(thr, 0, 1)          # [J-1, B]
        _, rest = jax.lax.scan(col_step, first, (bs, thrs))
        row = jnp.concatenate([first[:, None], jnp.swapaxes(rest, 0, 1)], axis=1)  # [B, J]
        return row, None

    final_row, _ = jax.lax.scan(row_step, row0, (thd_rows, thdg_rows, thr_rows))
    # fake_lengths: DP value at sink node (max_i-1, max_j-1)
    return final_row[:, -1]  # [B]


def reference(images):
    return _dp_forward(images)

if __name__ == "__main__":
    import jax
    _d = setup_inputs()
    print(jax.jit(kernel)(*tuple(_d.values())))

</pallas_src>

<mosaic_0001>
module attributes {stable_mosaic.version = 14 : i64} {
  func.func @_dp_kernel(%arg0: i32, %arg1: i32, %arg2: memref<512x1024xf32, #tpu.memory_space<vmem>>, %arg3: memref<128x128xf32, #tpu.memory_space<vmem>>, %arg4: memref<512x1xf32, #tpu.memory_space<vmem>>, %arg5: memref<512x128xf32, #tpu.memory_space<vmem>>, %arg6: memref<512x128xf32, #tpu.memory_space<vmem>>) attributes {dimension_semantics = [#tpu.dimension_semantics<arbitrary>, #tpu.dimension_semantics<arbitrary>], iteration_bounds = array<i64: 2, 16>, scalar_prefetch = 0 : i64, scratch_operands = 2 : i64, tpu.core_type = #tpu.core_type<tc>, window_params = [{transform_indices = @transform_0, window_bounds = array<i64: 512, 1024>}, {pipeline_mode = #tpu.pipeline_mode<synchronous>, transform_indices = @transform_1, window_bounds = array<i64: 128, 128>}, {transform_indices = @transform_2, window_bounds = array<i64: 512, 1>}]} {
    %get3A = arith.constant 0 : index
    %get3A_0 = arith.constant 0 : index
    %get3A_1 = vector.load %arg3[%get3A, %get3A_0] : memref<128x128xf32, #tpu.memory_space<vmem>>, vector<128x128xf32>
    %eq3A = arith.constant 0 : i32
    %eq3A_2 = arith.cmpi eq, %arg1, %eq3A : i32
    %convert_element_type3A = arith.extui %eq3A_2 : i1 to i32
    %cond3A = arith.constant 0 : i32
    %cond3A_3 = arith.cmpi ne, %convert_element_type3A, %cond3A : i32
    scf.if %cond3A_3 {
      %get3A_13 = arith.constant 0 : index
      %get3A_14 = arith.constant 0 : index
      %get3A_15 = vector.load %arg2[%get3A_13, %get3A_14] : memref<512x1024xf32, #tpu.memory_space<vmem>>, vector<512x128xf32>
      %mul3A = arith.constant 5.000000e-01 : f32
      %mul3A_16 = vector.broadcast %mul3A : f32 to vector<512x128xf32>
      %mul3A_17 = arith.mulf %mul3A_16, %get3A_15 : vector<512x128xf32>
      %dot_general3A = arith.constant dense<0.000000e+00> : vector<512x128xf32>
      %dot_general3A_18 = tpu.matmul %mul3A_17, %get3A_1, %dot_general3A {dimension_numbers = #tpu.dot_dimension_numbers<[1], [0], [0], [1], [0, 0, 1, 1], [], []>, transpose_lhs_hint = false} : vector<512x128xf32>, vector<128x128xf32>, vector<512x128xf32> -> vector<512x128xf32>
      %slice3A = vector.extract_strided_slice %get3A_15 {offsets = [0, 0], sizes = [512, 1], strides = [1, 1]} : vector<512x128xf32> to vector<512x1xf32>
      %slice3A_19 = vector.extract_strided_slice %dot_general3A_18 {offsets = [0, 0], sizes = [512, 1], strides = [1, 1]} : vector<512x128xf32> to vector<512x1xf32>
      %sub3A = arith.subf %slice3A, %slice3A_19 : vector<512x1xf32>
      %add3A = vector.broadcast %sub3A : vector<512x1xf32> to vector<512x128xf32>
      %add3A_20 = arith.addf %dot_general3A_18, %add3A : vector<512x128xf32>
      %get3A_21 = arith.constant 0 : index
      %get3A_22 = arith.constant 128 : index
      %get3A_23 = vector.load %arg2[%get3A_21, %get3A_22] : memref<512x1024xf32, #tpu.memory_space<vmem>>, vector<512x128xf32>
      %mul3A_24 = arith.constant 5.000000e-01 : f32
      %mul3A_25 = vector.broadcast %mul3A_24 : f32 to vector<512x128xf32>
      %mul3A_26 = arith.mulf %mul3A_25, %get3A_23 : vector<512x128xf32>
      %dot_general3A_27 = arith.constant dense<0.000000e+00> : vector<512x128xf32>
      %dot_general3A_28 = tpu.matmul %mul3A_26, %get3A_1, %dot_general3A_27 {dimension_numbers = #tpu.dot_dimension_numbers<[1], [0], [0], [1], [0, 0, 1, 1], [], []>, transpose_lhs_hint = false} : vector<512x128xf32>, vector<128x128xf32>, vector<512x128xf32> -> vector<512x128xf32>
      %add3A_29 = arith.addf %add3A_20, %mul3A_17 : vector<512x128xf32>
      %add3A_30 = arith.addf %add3A_29, %mul3A_26 : vector<512x128xf32>
      %slice3A_31 = vector.extract_strided_slice %add3A_29 {offsets = [0, 127], sizes = [512, 1], strides = [1, 1]} : vector<512x128xf32> to vector<512x1xf32>
      %slice3A_32 = vector.extract_strided_slice %add3A_29 {offsets = [0, 0], sizes = [512, 127], strides = [1, 1]} : vector<512x128xf32> to vector<512x127xf32>
      %concatenate3A = tpu.concatenate %slice3A_31, %slice3A_32 in 1 : vector<512x1xf32>, vector<512x127xf32> -> vector<512x128xf32>
      %iota3A = tpu.iota {dimensions = array<i32: 1>} : vector<512x128xi32>
      %lt3A = arith.constant 1 : i32
      %lt3A_33 = vector.broadcast %lt3A : i32 to vector<512x128xi32>
      %lt3A_34 = arith.cmpi slt, %iota3A, %lt3A_33 : vector<512x128xi32>
      %jit3A = arith.constant -3.000000e+38 : f32
      %broadcast_in_dim3A = vector.broadcast %jit3A : f32 to vector<512x128xf32>
      %select_n3A = arith.select %lt3A_34, %broadcast_in_dim3A, %concatenate3A : vector<512x128xi1>, vector<512x128xf32>
      %add3A_35 = arith.addf %select_n3A, %mul3A_26 : vector<512x128xf32>
      %max3A = arith.maximumf %add3A_30, %add3A_35 : vector<512x128xf32>
      %sub3A_36 = arith.subf %max3A, %dot_general3A_28 : vector<512x128xf32>
      %slice3A_37 = vector.extract_strided_slice %sub3A_36 {offsets = [0, 127], sizes = [512, 1], strides = [1, 1]} : vector<512x128xf32> to vector<512x1xf32>
      %slice3A_38 = vector.extract_strided_slice %sub3A_36 {offsets = [0, 0], sizes = [512, 127], strides = [1, 1]} : vector<512x128xf32> to vector<512x127xf32>
      %concatenate3A_39 = tpu.concatenate %slice3A_37, %slice3A_38 in 1 : vector<512x1xf32>, vector<512x127xf32> -> vector<512x128xf32>
      %iota3A_40 = tpu.iota {dimensions = array<i32: 1>} : vector<512x128xi32>
      %lt3A_41 = arith.constant 1 : i32
      %lt3A_42 = vector.broadcast %lt3A_41 : i32 to vector<512x128xi32>
      %lt3A_43 = arith.cmpi slt, %iota3A_40, %lt3A_42 : vector<512x128xi32>
      %jit3A_44 = arith.constant -3.000000e+38 : f32
      %broadcast_in_dim3A_45 = vector.broadcast %jit3A_44 : f32 to vector<512x128xf32>
      %select_n3A_46 = arith.select %lt3A_43, %broadcast_in_dim3A_45, %concatenate3A_39 : vector<512x128xi1>, vector<512x128xf32>
      %max3A_47 = arith.maximumf %sub3A_36, %select_n3A_46 : vector<512x128xf32>
      %slice3A_48 = vector.extract_strided_slice %max3A_47 {offsets = [0, 126], sizes = [512, 2], strides = [1, 1]} : vector<512x128xf32> to vector<512x2xf32>
      %slice3A_49 = vector.extract_strided_slice %max3A_47 {offsets = [0, 0], sizes = [512, 126], strides = [1, 1]} : vector<512x128xf32> to vector<512x126xf32>
      %concatenate3A_50 = tpu.concatenate %slice3A_48, %slice3A_49 in 1 : vector<512x2xf32>, vector<512x126xf32> -> vector<512x128xf32>
      %iota3A_51 = tpu.iota {dimensions = array<i32: 1>} : vector<512x128xi32>
      %lt3A_52 = arith.constant 2 : i32
      %lt3A_53 = vector.broadcast %lt3A_52 : i32 to vector<512x128xi32>
      %lt3A_54 = arith.cmpi slt, %iota3A_51, %lt3A_53 : vector<512x128xi32>
      %jit3A_55 = arith.constant -3.000000e+38 : f32
      %broadcast_in_dim3A_56 = vector.broadcast %jit3A_55 : f32 to vector<512x128xf32>
      %select_n3A_57 = arith.select %lt3A_54, %broadcast_in_dim3A_56, %concatenate3A_50 : vector<512x128xi1>, vector<512x128xf32>
      %max3A_58 = arith.maximumf %max3A_47, %select_n3A_57 : vector<512x128xf32>
      %slice3A_59 = vector.extract_strided_slice %max3A_58 {offsets = [0, 124], sizes = [512, 4], strides = [1, 1]} : vector<512x128xf32> to vector<512x4xf32>
      %slice3A_60 = vector.extract_strided_slice %max3A_58 {offsets = [0, 0], sizes = [512, 124], strides = [1, 1]} : vector<512x128xf32> to vector<512x124xf32>
      %concatenate3A_61 = tpu.concatenate %slice3A_59, %slice3A_60 in 1 : vector<512x4xf32>, vector<512x124xf32> -> vector<512x128xf32>
      %iota3A_62 = tpu.iota {dimensions = array<i32: 1>} : vector<512x128xi32>
      %lt3A_63 = arith.constant 4 : i32
      %lt3A_64 = vector.broadcast %lt3A_63 : i32 to vector<512x128xi32>
      %lt3A_65 = arith.cmpi slt, %iota3A_62, %lt3A_64 : vector<512x128xi32>
      %jit3A_66 = arith.constant -3.000000e+38 : f32
      %broadcast_in_dim3A_67 = vector.broadcast %jit3A_66 : f32 to vector<512x128xf32>
      %select_n3A_68 = arith.select %lt3A_65, %broadcast_in_dim3A_67, %concatenate3A_61 : vector<512x128xi1>, vector<512x128xf32>
      %max3A_69 = arith.maximumf %max3A_58, %select_n3A_68 : vector<512x128xf32>
      %slice3A_70 = vector.extract_strided_slice %max3A_69 {offsets = [0, 120], sizes = [512, 8], strides = [1, 1]} : vector<512x128xf32> to vector<512x8xf32>
      %slice3A_71 = vector.extract_strided_slice %max3A_69 {offsets = [0, 0], sizes = [512, 120], strides = [1, 1]} : vector<512x128xf32> to vector<512x120xf32>
      %concatenate3A_72 = tpu.concatenate %slice3A_70, %slice3A_71 in 1 : vector<512x8xf32>, vector<512x120xf32> -> vector<512x128xf32>
      %iota3A_73 = tpu.iota {dimensions = array<i32: 1>} : vector<512x128xi32>
      %lt3A_74 = arith.constant 8 : i32
      %lt3A_75 = vector.broadcast %lt3A_74 : i32 to vector<512x128xi32>
      %lt3A_76 = arith.cmpi slt, %iota3A_73, %lt3A_75 : vector<512x128xi32>
      %jit3A_77 = arith.constant -3.000000e+38 : f32
      %broadcast_in_dim3A_78 = vector.broadcast %jit3A_77 : f32 to vector<512x128xf32>
      %select_n3A_79 = arith.select %lt3A_76, %broadcast_in_dim3A_78, %concatenate3A_72 : vector<512x128xi1>, vector<512x128xf32>
      %max3A_80 = arith.maximumf %max3A_69, %select_n3A_79 : vector<512x128xf32>
      %slice3A_81 = vector.extract_strided_slice %max3A_80 {offsets = [0, 112], sizes = [512, 16], strides = [1, 1]} : vector<512x128xf32> to vector<512x16xf32>
      %slice3A_82 = vector.extract_strided_slice %max3A_80 {offsets = [0, 0], sizes = [512, 112], strides = [1, 1]} : vector<512x128xf32> to vector<512x112xf32>
      %concatenate3A_83 = tpu.concatenate %slice3A_81, %slice3A_82 in 1 : vector<512x16xf32>, vector<512x112xf32> -> vector<512x128xf32>
      %iota3A_84 = tpu.iota {dimensions = array<i32: 1>} : vector<512x128xi32>
      %lt3A_85 = arith.constant 16 : i32
      %lt3A_86 = vector.broadcast %lt3A_85 : i32 to vector<512x128xi32>
      %lt3A_87 = arith.cmpi slt, %iota3A_84, %lt3A_86 : vector<512x128xi32>
      %jit3A_88 = arith.constant -3.000000e+38 : f32
      %broadcast_in_dim3A_89 = vector.broadcast %jit3A_88 : f32 to vector<512x128xf32>
      %select_n3A_90 = arith.select %lt3A_87, %broadcast_in_dim3A_89, %concatenate3A_83 : vector<512x128xi1>, vector<512x128xf32>
      %max3A_91 = arith.maximumf %max3A_80, %select_n3A_90 : vector<512x128xf32>
      %slice3A_92 = vector.extract_strided_slice %max3A_91 {offsets = [0, 96], sizes = [512, 32], strides = [1, 1]} : vector<512x128xf32> to vector<512x32xf32>
      %slice3A_93 = vector.extract_strided_slice %max3A_91 {offsets = [0, 0], sizes = [512, 96], strides = [1, 1]} : vector<512x128xf32> to vector<512x96xf32>
      %concatenate3A_94 = tpu.concatenate %slice3A_92, %slice3A_93 in 1 : vector<512x32xf32>, vector<512x96xf32> -> vector<512x128xf32>
      %iota3A_95 = tpu.iota {dimensions = array<i32: 1>} : vector<512x128xi32>
      %lt3A_96 = arith.constant 32 : i32
      %lt3A_97 = vector.broadcast %lt3A_96 : i32 to vector<512x128xi32>
      %lt3A_98 = arith.cmpi slt, %iota3A_95, %lt3A_97 : vector<512x128xi32>
      %jit3A_99 = arith.constant -3.000000e+38 : f32
      %broadcast_in_dim3A_100 = vector.broadcast %jit3A_99 : f32 to vector<512x128xf32>
      %select_n3A_101 = arith.select %lt3A_98, %broadcast_in_dim3A_100, %concatenate3A_94 : vector<512x128xi1>, vector<512x128xf32>
      %max3A_102 = arith.maximumf %max3A_91, %select_n3A_101 : vector<512x128xf32>
      %slice3A_103 = vector.extract_strided_slice %max3A_102 {offsets = [0, 64], sizes = [512, 64], strides = [1, 1]} : vector<512x128xf32> to vector<512x64xf32>
      %slice3A_104 = vector.extract_strided_slice %max3A_102 {offsets = [0, 0], sizes = [512, 64], strides = [1, 1]} : vector<512x128xf32> to vector<512x64xf32>
      %concatenate3A_105 = tpu.concatenate %slice3A_103, %slice3A_104 in 1 : vector<512x64xf32>, vector<512x64xf32> -> vector<512x128xf32>
      %iota3A_106 = tpu.iota {dimensions = array<i32: 1>} : vector<512x128xi32>
      %lt3A_107 = arith.constant 64 : i32
      %lt3A_108 = vector.broadcast %lt3A_107 : i32 to vector<512x128xi32>
      %lt3A_109 = arith.cmpi slt, %iota3A_106, %lt3A_108 : vector<512x128xi32>
      %jit3A_110 = arith.constant -3.000000e+38 : f32
      %broadcast_in_dim3A_111 = vector.broadcast %jit3A_110 : f32 to vector<512x128xf32>
      %select_n3A_112 = arith.select %lt3A_109, %broadcast_in_dim3A_111, %concatenate3A_105 : vector<512x128xi1>, vector<512x128xf32>
      %max3A_113 = arith.maximumf %max3A_102, %select_n3A_112 : vector<512x128xf32>
      %add3A_114 = arith.addf %dot_general3A_28, %max3A_113 : vector<512x128xf32>
      %get3A_115 = arith.constant 0 : index
      %get3A_116 = arith.constant 256 : index
      %get3A_117 = vector.load %arg2[%get3A_115, %get3A_116] : memref<512x1024xf32, #tpu.memory_space<vmem>>, vector<512x128xf32>
      %mul3A_118 = arith.constant 5.000000e-01 : f32
      %mul3A_119 = vector.broadcast %mul3A_118 : f32 to vector<512x128xf32>
      %mul3A_120 = arith.mulf %mul3A_119, %get3A_117 : vector<512x128xf32>
      %dot_general3A_121 = arith.constant dense<0.000000e+00> : vector<512x128xf32>
      %dot_general3A_122 = tpu.matmul %mul3A_120, %get3A_1, %dot_general3A_121 {dimension_numbers = #tpu.dot_dimension_numbers<[1], [0], [0], [1], [0, 0, 1, 1], [], []>, transpose_lhs_hint = false} : vector<512x128xf32>, vector<128x128xf32>, vector<512x128xf32> -> vector<512x128xf32>
      %add3A_123 = arith.addf %add3A_114, %mul3A_26 : vector<512x128xf32>
      %add3A_124 = arith.addf %add3A_123, %mul3A_120 : vector<512x128xf32>
      %slice3A_125 = vector.extract_strided_slice %add3A_123 {offsets = [0, 127], sizes = [512, 1], strides = [1, 1]} : vector<512x128xf32> to vector<512x1xf32>
      %slice3A_126 = vector.extract_strided_slice %add3A_123 {offsets = [0, 0], sizes = [512, 127], strides = [1, 1]} : vector<512x128xf32> to vector<512x127xf32>
      %concatenate3A_127 = tpu.concatenate %slice3A_125, %slice3A_126 in 1 : vector<512x1xf32>, vector<512x127xf32> -> vector<512x128xf32>
      %iota3A_128 = tpu.iota {dimensions = array<i32: 1>} : vector<512x128xi32>
      %lt3A_129 = arith.constant 1 : i32
      %lt3A_130 = vector.broadcast %lt3A_129 : i32 to vector<512x128xi32>
      %lt3A_131 = arith.cmpi slt, %iota3A_128, %lt3A_130 : vector<512x128xi32>
      %jit3A_132 = arith.constant -3.000000e+38 : f32
      %broadcast_in_dim3A_133 = vector.broadcast %jit3A_132 : f32 to vector<512x128xf32>
      %select_n3A_134 = arith.select %lt3A_131, %broadcast_in_dim3A_133, %concatenate3A_127 : vector<512x128xi1>, vector<512x128xf32>
      %add3A_135 = arith.addf %select_n3A_134, %mul3A_120 : vector<512x128xf32>
      %max3A_136 = arith.maximumf %add3A_124, %add3A_135 : vector<512x128xf32>
      %sub3A_137 = arith.subf %max3A_136, %dot_general3A_122 : vector<512x128xf32>
      %slice3A_138 = vector.extract_strided_slice %sub3A_137 {offsets = [0, 127], sizes = [512, 1], strides = [1, 1]} : vector<512x128xf32> to vector<512x1xf32>
      %slice3A_139 = vector.extract_strided_slice %sub3A_137 {offsets = [0, 0], sizes = [512, 127], strides = [1, 1]} : vector<512x128xf32> to vector<512x127xf32>
      %concatenate3A_140 = tpu.concatenate %slice3A_138, %slice3A_139 in 1 : vector<512x1xf32>, vector<512x127xf32> -> vector<512x128xf32>
      %iota3A_141 = tpu.iota {dimensions = array<i32: 1>} : vector<512x128xi32>
      %lt3A_142 = arith.constant 1 : i32
      %lt3A_143 = vector.broadcast %lt3A_142 : i32 to vector<512x128xi32>
      %lt3A_144 = arith.cmpi slt, %iota3A_141, %lt3A_143 : vector<512x128xi32>
      %jit3A_145 = arith.constant -3.000000e+38 : f32
      %broadcast_in_dim3A_146 = vector.broadcast %jit3A_145 : f32 to vector<512x128xf32>
      %select_n3A_147 = arith.select %lt3A_144, %broadcast_in_dim3A_146, %concatenate3A_140 : vector<512x128xi1>, vector<512x128xf32>
      %max3A_148 = arith.maximumf %sub3A_137, %select_n3A_147 : vector<512x128xf32>
      %slice3A_149 = vector.extract_strided_slice %max3A_148 {offsets = [0, 126], sizes = [512, 2], strides = [1, 1]} : vector<512x128xf32> to vector<512x2xf32>
      %slice3A_150 = vector.extract_strided_slice %max3A_148 {offsets = [0, 0], sizes = [512, 126], strides = [1, 1]} : vector<512x128xf32> to vector<512x126xf32>
      %concatenate3A_151 = tpu.concatenate %slice3A_149, %slice3A_150 in 1 : vector<512x2xf32>, vector<512x126xf32> -> vector<512x128xf32>
      %iota3A_152 = tpu.iota {dimensions = array<i32: 1>} : vector<512x128xi32>
      %lt3A_153 = arith.constant 2 : i32
      %lt3A_154 = vector.broadcast %lt3A_153 : i32 to vector<512x128xi32>
      %lt3A_155 = arith.cmpi slt, %iota3A_152, %lt3A_154 : vector<512x128xi32>
      %jit3A_156 = arith.constant -3.000000e+38 : f32
      %broadcast_in_dim3A_157 = vector.broadcast %jit3A_156 : f32 to vector<512x128xf32>
      %select_n3A_158 = arith.select %lt3A_155, %broadcast_in_dim3A_157, %concatenate3A_151 : vector<512x128xi1>, vector<512x128xf32>
      %max3A_159 = arith.maximumf %max3A_148, %select_n3A_158 : vector<512x128xf32>
      %slice3A_160 = vector.extract_strided_slice %max3A_159 {offsets = [0, 124], sizes = [512, 4], strides = [1, 1]} : vector<512x128xf32> to vector<512x4xf32>
      %slice3A_161 = vector.extract_strided_slice %max3A_159 {offsets = [0, 0], sizes = [512, 124], strides = [1, 1]} : vector<512x128xf32> to vector<512x124xf32>
      %concatenate3A_162 = tpu.concatenate %slice3A_160, %slice3A_161 in 1 : vector<512x4xf32>, vector<512x124xf32> -> vector<512x128xf32>
      %iota3A_163 = tpu.iota {dimensions = array<i32: 1>} : vector<512x128xi32>
      %lt3A_164 = arith.constant 4 : i32
      %lt3A_165 = vector.broadcast %lt3A_164 : i32 to vector<512x128xi32>
      %lt3A_166 = arith.cmpi slt, %iota3A_163, %lt3A_165 : vector<512x128xi32>
      %jit3A_167 = arith.constant -3.000000e+38 : f32
      %broadcast_in_dim3A_168 = vector.broadcast %jit3A_167 : f32 to vector<512x128xf32>
      %select_n3A_169 = arith.select %lt3A_166, %broadcast_in_dim3A_168, %concatenate3A_162 : vector<512x128xi1>, vector<512x128xf32>
      %max3A_170 = arith.maximumf %max3A_159, %select_n3A_169 : vector<512x128xf32>
      %slice3A_171 = vector.extract_strided_slice %max3A_170 {offsets = [0, 120], sizes = [512, 8], strides = [1, 1]} : vector<512x128xf32> to vector<512x8xf32>
      %slice3A_172 = vector.extract_strided_slice %max3A_170 {offsets = [0, 0], sizes = [512, 120], strides = [1, 1]} : vector<512x128xf32> to vector<512x120xf32>
      %concatenate3A_173 = tpu.concatenate %slice3A_171, %slice3A_172 in 1 : vector<512x8xf32>, vector<512x120xf32> -> vector<512x128xf32>
      %iota3A_174 = tpu.iota {dimensions = array<i32: 1>} : vector<512x128xi32>
      %lt3A_175 = arith.constant 8 : i32
      %lt3A_176 = vector.broadcast %lt3A_175 : i32 to vector<512x128xi32>
      %lt3A_177 = arith.cmpi slt, %iota3A_174, %lt3A_176 : vector<512x128xi32>
      %jit3A_178 = arith.constant -3.000000e+38 : f32
      %broadcast_in_dim3A_179 = vector.broadcast %jit3A_178 : f32 to vector<512x128xf32>
      %select_n3A_180 = arith.select %lt3A_177, %broadcast_in_dim3A_179, %concatenate3A_173 : vector<512x128xi1>, vector<512x128xf32>
      %max3A_181 = arith.maximumf %max3A_170, %select_n3A_180 : vector<512x128xf32>
      %slice3A_182 = vector.extract_strided_slice %max3A_181 {offsets = [0, 112], sizes = [512, 16], strides = [1, 1]} : vector<512x128xf32> to vector<512x16xf32>
      %slice3A_183 = vector.extract_strided_slice %max3A_181 {offsets = [0, 0], sizes = [512, 112], strides = [1, 1]} : vector<512x128xf32> to vector<512x112xf32>
      %concatenate3A_184 = tpu.concatenate %slice3A_182, %slice3A_183 in 1 : vector<512x16xf32>, vector<512x112xf32> -> vector<512x128xf32>
      %iota3A_185 = tpu.iota {dimensions = array<i32: 1>} : vector<512x128xi32>
      %lt3A_186 = arith.constant 16 : i32
      %lt3A_187 = vector.broadcast %lt3A_186 : i32 to vector<512x128xi32>
      %lt3A_188 = arith.cmpi slt, %iota3A_185, %lt3A_187 : vector<512x128xi32>
      %jit3A_189 = arith.constant -3.000000e+38 : f32
      %broadcast_in_dim3A_190 = vector.broadcast %jit3A_189 : f32 to vector<512x128xf32>
      %select_n3A_191 = arith.select %lt3A_188, %broadcast_in_dim3A_190, %concatenate3A_184 : vector<512x128xi1>, vector<512x128xf32>
      %max3A_192 = arith.maximumf %max3A_181, %select_n3A_191 : vector<512x128xf32>
      %slice3A_193 = vector.extract_strided_slice %max3A_192 {offsets = [0, 96], sizes = [512, 32], strides = [1, 1]} : vector<512x128xf32> to vector<512x32xf32>
      %slice3A_194 = vector.extract_strided_slice %max3A_192 {offsets = [0, 0], sizes = [512, 96], strides = [1, 1]} : vector<512x128xf32> to vector<512x96xf32>
      %concatenate3A_195 = tpu.concatenate %slice3A_193, %slice3A_194 in 1 : vector<512x32xf32>, vector<512x96xf32> -> vector<512x128xf32>
      %iota3A_196 = tpu.iota {dimensions = array<i32: 1>} : vector<512x128xi32>
      %lt3A_197 = arith.constant 32 : i32
      %lt3A_198 = vector.broadcast %lt3A_197 : i32 to vector<512x128xi32>
      %lt3A_199 = arith.cmpi slt, %iota3A_196, %lt3A_198 : vector<512x128xi32>
      %jit3A_200 = arith.constant -3.000000e+38 : f32
      %broadcast_in_dim3A_201 = vector.broadcast %jit3A_200 : f32 to vector<512x128xf32>
      %select_n3A_202 = arith.select %lt3A_199, %broadcast_in_dim3A_201, %concatenate3A_195 : vector<512x128xi1>, vector<512x128xf32>
      %max3A_203 = arith.maximumf %max3A_192, %select_n3A_202 : vector<512x128xf32>
      %slice3A_204 = vector.extract_strided_slice %max3A_203 {offsets = [0, 64], sizes = [512, 64], strides = [1, 1]} : vector<512x128xf32> to vector<512x64xf32>
      %slice3A_205 = vector.extract_strided_slice %max3A_203 {offsets = [0, 0], sizes = [512, 64], strides = [1, 1]} : vector<512x128xf32> to vector<512x64xf32>
      %concatenate3A_206 = tpu.concatenate %slice3A_204, %slice3A_205 in 1 : vector<512x64xf32>, vector<512x64xf32> -> vector<512x128xf32>
      %iota3A_207 = tpu.iota {dimensions = array<i32: 1>} : vector<512x128xi32>
      %lt3A_208 = arith.constant 64 : i32
      %lt3A_209 = vector.broadcast %lt3A_208 : i32 to vector<512x128xi32>
      %lt3A_210 = arith.cmpi slt, %iota3A_207, %lt3A_209 : vector<512x128xi32>
      %jit3A_211 = arith.constant -3.000000e+38 : f32
      %broadcast_in_dim3A_212 = vector.broadcast %jit3A_211 : f32 to vector<512x128xf32>
      %select_n3A_213 = arith.select %lt3A_210, %broadcast_in_dim3A_212, %concatenate3A_206 : vector<512x128xi1>, vector<512x128xf32>
      %max3A_214 = arith.maximumf %max3A_203, %select_n3A_213 : vector<512x128xf32>
      %add3A_215 = arith.addf %dot_general3A_122, %max3A_214 : vector<512x128xf32>
      %get3A_216 = arith.constant 0 : index
      %get3A_217 = arith.constant 384 : index
      %get3A_218 = vector.load %arg2[%get3A_216, %get3A_217] : memref<512x1024xf32, #tpu.memory_space<vmem>>, vector<512x128xf32>
      %mul3A_219 = arith.constant 5.000000e-01 : f32
      %mul3A_220 = vector.broadcast %mul3A_219 : f32 to vector<512x128xf32>
      %mul3A_221 = arith.mulf %mul3A_220, %get3A_218 : vector<512x128xf32>
      %dot_general3A_222 = arith.constant dense<0.000000e+00> : vector<512x128xf32>
      %dot_general3A_223 = tpu.matmul %mul3A_221, %get3A_1, %dot_general3A_222 {dimension_numbers = #tpu.dot_dimension_numbers<[1], [0], [0], [1], [0, 0, 1, 1], [], []>, transpose_lhs_hint = false} : vector<512x128xf32>, vector<128x128xf32>, vector<512x128xf32> -> vector<512x128xf32>
      %add3A_224 = arith.addf %add3A_215, %mul3A_120 : vector<512x128xf32>
      %add3A_225 = arith.addf %add3A_224, %mul3A_221 : vector<512x128xf32>
      %slice3A_226 = vector.extract_strided_slice %add3A_224 {offsets = [0, 127], sizes = [512, 1], strides = [1, 1]} : vector<512x128xf32> to vector<512x1xf32>
      %slice3A_227 = vector.extract_strided_slice %add3A_224 {offsets = [0, 0], sizes = [512, 127], strides = [1, 1]} : vector<512x128xf32> to vector<512x127xf32>
      %concatenate3A_228 = tpu.concatenate %slice3A_226, %slice3A_227 in 1 : vector<512x1xf32>, vector<512x127xf32> -> vector<512x128xf32>
      %iota3A_229 = tpu.iota {dimensions = array<i32: 1>} : vector<512x128xi32>
      %lt3A_230 = arith.constant 1 : i32
      %lt3A_231 = vector.broadcast %lt3A_230 : i32 to vector<512x128xi32>
      %lt3A_232 = arith.cmpi slt, %iota3A_229, %lt3A_231 : vector<512x128xi32>
      %jit3A_233 = arith.constant -3.000000e+38 : f32
      %broadcast_in_dim3A_234 = vector.broadcast %jit3A_233 : f32 to vector<512x128xf32>
      %select_n3A_235 = arith.select %lt3A_232, %broadcast_in_dim3A_234, %concatenate3A_228 : vector<512x128xi1>, vector<512x128xf32>
      %add3A_236 = arith.addf %select_n3A_235, %mul3A_221 : vector<512x128xf32>
      %max3A_237 = arith.maximumf %add3A_225, %add3A_236 : vector<512x128xf32>
      %sub3A_238 = arith.subf %max3A_237, %dot_general3A_223 : vector<512x128xf32>
      %slice3A_239 = vector.extract_strided_slice %sub3A_238 {offsets = [0, 127], sizes = [512, 1], strides = [1, 1]} : vector<512x128xf32> to vector<512x1xf32>
      %slice3A_240 = vector.extract_strided_slice %sub3A_238 {offsets = [0, 0], sizes = [512, 127], strides = [1, 1]} : vector<512x128xf32> to vector<512x127xf32>
      %concatenate3A_241 = tpu.concatenate %slice3A_239, %slice3A_240 in 1 : vector<512x1xf32>, vector<512x127xf32> -> vector<512x128xf32>
      %iota3A_242 = tpu.iota {dimensions = array<i32: 1>} : vector<512x128xi32>
      %lt3A_243 = arith.constant 1 : i32
      %lt3A_244 = vector.broadcast %lt3A_243 : i32 to vector<512x128xi32>
      %lt3A_245 = arith.cmpi slt, %iota3A_242, %lt3A_244 : vector<512x128xi32>
      %jit3A_246 = arith.constant -3.000000e+38 : f32
      %broadcast_in_dim3A_247 = vector.broadcast %jit3A_246 : f32 to vector<512x128xf32>
      %select_n3A_248 = arith.select %lt3A_245, %broadcast_in_dim3A_247, %concatenate3A_241 : vector<512x128xi1>, vector<512x128xf32>
      %max3A_249 = arith.maximumf %sub3A_238, %select_n3A_248 : vector<512x128xf32>
      %slice3A_250 = vector.extract_strided_slice %max3A_249 {offsets = [0, 126], sizes = [512, 2], strides = [1, 1]} : vector<512x128xf32> to vector<512x2xf32>
      %slice3A_251 = vector.extract_strided_slice %max3A_249 {offsets = [0, 0], sizes = [512, 126], strides = [1, 1]} : vector<512x128xf32> to vector<512x126xf32>
      %concatenate3A_252 = tpu.concatenate %slice3A_250, %slice3A_251 in 1 : vector<512x2xf32>, vector<512x126xf32> -> vector<512x128xf32>
      %iota3A_253 = tpu.iota {dimensions = array<i32: 1>} : vector<512x128xi32>
      %lt3A_254 = arith.constant 2 : i32
      %lt3A_255 = vector.broadcast %lt3A_254 : i32 to vector<512x128xi32>
      %lt3A_256 = arith.cmpi slt, %iota3A_253, %lt3A_255 : vector<512x128xi32>
      %jit3A_257 = arith.constant -3.000000e+38 : f32
      %broadcast_in_dim3A_258 = vector.broadcast %jit3A_257 : f32 to vector<512x128xf32>
      %select_n3A_259 = arith.select %lt3A_256, %broadcast_in_dim3A_258, %concatenate3A_252 : vector<512x128xi1>, vector<512x128xf32>
      %max3A_260 = arith.maximumf %max3A_249, %select_n3A_259 : vector<512x128xf32>
      %slice3A_261 = vector.extract_strided_slice %max3A_260 {offsets = [0, 124], sizes = [512, 4], strides = [1, 1]} : vector<512x128xf32> to vector<512x4xf32>
      %slice3A_262 = vector.extract_strided_slice %max3A_260 {offsets = [0, 0], sizes = [512, 124], strides = [1, 1]} : vector<512x128xf32> to vector<512x124xf32>
      %concatenate3A_263 = tpu.concatenate %slice3A_261, %slice3A_262 in 1 : vector<512x4xf32>, vector<512x124xf32> -> vector<512x128xf32>
      %iota3A_264 = tpu.iota {dimensions = array<i32: 1>} : vector<512x128xi32>
      %lt3A_265 = arith.constant 4 : i32
      %lt3A_266 = vector.broadcast %lt3A_265 : i32 to vector<512x128xi32>
      %lt3A_267 = arith.cmpi slt, %iota3A_264, %lt3A_266 : vector<512x128xi32>
      %jit3A_268 = arith.constant -3.000000e+38 : f32
      %broadcast_in_dim3A_269 = vector.broadcast %jit3A_268 : f32 to vector<512x128xf32>
      %select_n3A_270 = arith.select %lt3A_267, %broadcast_in_dim3A_269, %concatenate3A_263 : vector<512x128xi1>, vector<512x128xf32>
      %max3A_271 = arith.maximumf %max3A_260, %select_n3A_270 : vector<512x128xf32>
      %slice3A_272 = vector.extract_strided_slice %max3A_271 {offsets = [0, 120], sizes = [512, 8], strides = [1, 1]} : vector<512x128xf32> to vector<512x8xf32>
      %slice3A_273 = vector.extract_strided_slice %max3A_271 {offsets = [0, 0], sizes = [512, 120], strides = [1, 1]} : vector<512x128xf32> to vector<512x120xf32>
      %concatenate3A_274 = tpu.concatenate %slice3A_272, %slice3A_273 in 1 : vector<512x8xf32>, vector<512x120xf32> -> vector<512x128xf32>
      %iota3A_275 = tpu.iota {dimensions = array<i32: 1>} : vector<512x128xi32>
      %lt3A_276 = arith.constant 8 : i32
      %lt3A_277 = vector.broadcast %lt3A_276 : i32 to vector<512x128xi32>
      %lt3A_278 = arith.cmpi slt, %iota3A_275, %lt3A_277 : vector<512x128xi32>
      %jit3A_279 = arith.constant -3.000000e+38 : f32
      %broadcast_in_dim3A_280 = vector.broadcast %jit3A_279 : f32 to vector<512x128xf32>
      %select_n3A_281 = arith.select %lt3A_278, %broadcast_in_dim3A_280, %concatenate3A_274 : vector<512x128xi1>, vector<512x128xf32>
      %max3A_282 = arith.maximumf %max3A_271, %select_n3A_281 : vector<512x128xf32>
      %slice3A_283 = vector.extract_strided_slice %max3A_282 {offsets = [0, 112], sizes = [512, 16], strides = [1, 1]} : vector<512x128xf32> to vector<512x16xf32>
      %slice3A_284 = vector.extract_strided_slice %max3A_282 {offsets = [0, 0], sizes = [512, 112], strides = [1, 1]} : vector<512x128xf32> to vector<512x112xf32>
      %concatenate3A_285 = tpu.concatenate %slice3A_283, %slice3A_284 in 1 : vector<512x16xf32>, vector<512x112xf32> -> vector<512x128xf32>
      %iota3A_286 = tpu.iota {dimensions = array<i32: 1>} : vector<512x128xi32>
      %lt3A_287 = arith.constant 16 : i32
      %lt3A_288 = vector.broadcast %lt3A_287 : i32 to vector<512x128xi32>
      %lt3A_289 = arith.cmpi slt, %iota3A_286, %lt3A_288 : vector<512x128xi32>
      %jit3A_290 = arith.constant -3.000000e+38 : f32
      %broadcast_in_dim3A_291 = vector.broadcast %jit3A_290 : f32 to vector<512x128xf32>
      %select_n3A_292 = arith.select %lt3A_289, %broadcast_in_dim3A_291, %concatenate3A_285 : vector<512x128xi1>, vector<512x128xf32>
      %max3A_293 = arith.maximumf %max3A_282, %select_n3A_292 : vector<512x128xf32>
      %slice3A_294 = vector.extract_strided_slice %max3A_293 {offsets = [0, 96], sizes = [512, 32], strides = [1, 1]} : vector<512x128xf32> to vector<512x32xf32>
      %slice3A_295 = vector.extract_strided_slice %max3A_293 {offsets = [0, 0], sizes = [512, 96], strides = [1, 1]} : vector<512x128xf32> to vector<512x96xf32>
      %concatenate3A_296 = tpu.concatenate %slice3A_294, %slice3A_295 in 1 : vector<512x32xf32>, vector<512x96xf32> -> vector<512x128xf32>
      %iota3A_297 = tpu.iota {dimensions = array<i32: 1>} : vector<512x128xi32>
      %lt3A_298 = arith.constant 32 : i32
      %lt3A_299 = vector.broadcast %lt3A_298 : i32 to vector<512x128xi32>
      %lt3A_300 = arith.cmpi slt, %iota3A_297, %lt3A_299 : vector<512x128xi32>
      %jit3A_301 = arith.constant -3.000000e+38 : f32
      %broadcast_in_dim3A_302 = vector.broadcast %jit3A_301 : f32 to vector<512x128xf32>
      %select_n3A_303 = arith.select %lt3A_300, %broadcast_in_dim3A_302, %concatenate3A_296 : vector<512x128xi1>, vector<512x128xf32>
      %max3A_304 = arith.maximumf %max3A_293, %select_n3A_303 : vector<512x128xf32>
      %slice3A_305 = vector.extract_strided_slice %max3A_304 {offsets = [0, 64], sizes = [512, 64], strides = [1, 1]} : vector<512x128xf32> to vector<512x64xf32>
      %slice3A_306 = vector.extract_strided_slice %max3A_304 {offsets = [0, 0], sizes = [512, 64], strides = [1, 1]} : vector<512x128xf32> to vector<512x64xf32>
      %concatenate3A_307 = tpu.concatenate %slice3A_305, %slice3A_306 in 1 : vector<512x64xf32>, vector<512x64xf32> -> vector<512x128xf32>
      %iota3A_308 = tpu.iota {dimensions = array<i32: 1>} : vector<512x128xi32>
      %lt3A_309 = arith.constant 64 : i32
      %lt3A_310 = vector.broadcast %lt3A_309 : i32 to vector<512x128xi32>
      %lt3A_311 = arith.cmpi slt, %iota3A_308, %lt3A_310 : vector<512x128xi32>
      %jit3A_312 = arith.constant -3.000000e+38 : f32
      %broadcast_in_dim3A_313 = vector.broadcast %jit3A_312 : f32 to vector<512x128xf32>
      %select_n3A_314 = arith.select %lt3A_311, %broadcast_in_dim3A_313, %concatenate3A_307 : vector<512x128xi1>, vector<512x128xf32>
      %max3A_315 = arith.maximumf %max3A_304, %select_n3A_314 : vector<512x128xf32>
      %add3A_316 = arith.addf %dot_general3A_223, %max3A_315 : vector<512x128xf32>
      %get3A_317 = arith.constant 0 : index
      %get3A_318 = arith.constant 512 : index
      %get3A_319 = vector.load %arg2[%get3A_317, %get3A_318] : memref<512x1024xf32, #tpu.memory_space<vmem>>, vector<512x128xf32>
      %mul3A_320 = arith.constant 5.000000e-01 : f32
      %mul3A_321 = vector.broadcast %mul3A_320 : f32 to vector<512x128xf32>
      %mul3A_322 = arith.mulf %mul3A_321, %get3A_319 : vector<512x128xf32>
      %dot_general3A_323 = arith.constant dense<0.000000e+00> : vector<512x128xf32>
      %dot_general3A_324 = tpu.matmul %mul3A_322, %get3A_1, %dot_general3A_323 {dimension_numbers = #tpu.dot_dimension_numbers<[1], [0], [0], [1], [0, 0, 1, 1], [], []>, transpose_lhs_hint = false} : vector<512x128xf32>, vector<128x128xf32>, vector<512x128xf32> -> vector<512x128xf32>
      %add3A_325 = arith.addf %add3A_316, %mul3A_221 : vector<512x128xf32>
      %add3A_326 = arith.addf %add3A_325, %mul3A_322 : vector<512x128xf32>
      %slice3A_327 = vector.extract_strided_slice %add3A_325 {offsets = [0, 127], sizes = [512, 1], strides = [1, 1]} : vector<512x128xf32> to vector<512x1xf32>
      %slice3A_328 = vector.extract_strided_slice %add3A_325 {offsets = [0, 0], sizes = [512, 127], strides = [1, 1]} : vector<512x128xf32> to vector<512x127xf32>
      %concatenate3A_329 = tpu.concatenate %slice3A_327, %slice3A_328 in 1 : vector<512x1xf32>, vector<512x127xf32> -> vector<512x128xf32>
      %iota3A_330 = tpu.iota {dimensions = array<i32: 1>} : vector<512x128xi32>
      %lt3A_331 = arith.constant 1 : i32
      %lt3A_332 = vector.broadcast %lt3A_331 : i32 to vector<512x128xi32>
      %lt3A_333 = arith.cmpi slt, %iota3A_330, %lt3A_332 : vector<512x128xi32>
      %jit3A_334 = arith.constant -3.000000e+38 : f32
      %broadcast_in_dim3A_335 = vector.broadcast %jit3A_334 : f32 to vector<512x128xf32>
      %select_n3A_336 = arith.select %lt3A_333, %broadcast_in_dim3A_335, %concatenate3A_329 : vector<512x128xi1>, vector<512x128xf32>
      %add3A_337 = arith.addf %select_n3A_336, %mul3A_322 : vector<512x128xf32>
      %max3A_338 = arith.maximumf %add3A_326, %add3A_337 : vector<512x128xf32>
      %sub3A_339 = arith.subf %max3A_338, %dot_general3A_324 : vector<512x128xf32>
      %slice3A_340 = vector.extract_strided_slice %sub3A_339 {offsets = [0, 127], sizes = [512, 1], strides = [1, 1]} : vector<512x128xf32> to vector<512x1xf32>
      %slice3A_341 = vector.extract_strided_slice %sub3A_339 {offsets = [0, 0], sizes = [512, 127], strides = [1, 1]} : vector<512x128xf32> to vector<512x127xf32>
      %concatenate3A_342 = tpu.concatenate %slice3A_340, %slice3A_341 in 1 : vector<512x1xf32>, vector<512x127xf32> -> vector<512x128xf32>
      %iota3A_343 = tpu.iota {dimensions = array<i32: 1>} : vector<512x128xi32>
      %lt3A_344 = arith.constant 1 : i32
      %lt3A_345 = vector.broadcast %lt3A_344 : i32 to vector<512x128xi32>
      %lt3A_346 = arith.cmpi slt, %iota3A_343, %lt3A_345 : vector<512x128xi32>
      %jit3A_347 = arith.constant -3.000000e+38 : f32
      %broadcast_in_dim3A_348 = vector.broadcast %jit3A_347 : f32 to vector<512x128xf32>
      %select_n3A_349 = arith.select %lt3A_346, %broadcast_in_dim3A_348, %concatenate3A_342 : vector<512x128xi1>, vector<512x128xf32>
      %max3A_350 = arith.maximumf %sub3A_339, %select_n3A_349 : vector<512x128xf32>
      %slice3A_351 = vector.extract_strided_slice %max3A_350 {offsets = [0, 126], sizes = [512, 2], strides = [1, 1]} : vector<512x128xf32> to vector<512x2xf32>
      %slice3A_352 = vector.extract_strided_slice %max3A_350 {offsets = [0, 0], sizes = [512, 126], strides = [1, 1]} : vector<512x128xf32> to vector<512x126xf32>
      %concatenate3A_353 = tpu.concatenate %slice3A_351, %slice3A_352 in 1 : vector<512x2xf32>, vector<512x126xf32> -> vector<512x128xf32>
      %iota3A_354 = tpu.iota {dimensions = array<i32: 1>} : vector<512x128xi32>
      %lt3A_355 = arith.constant 2 : i32
      %lt3A_356 = vector.broadcast %lt3A_355 : i32 to vector<512x128xi32>
      %lt3A_357 = arith.cmpi slt, %iota3A_354, %lt3A_356 : vector<512x128xi32>
      %jit3A_358 = arith.constant -3.000000e+38 : f32
      %broadcast_in_dim3A_359 = vector.broadcast %jit3A_358 : f32 to vector<512x128xf32>
      %select_n3A_360 = arith.select %lt3A_357, %broadcast_in_dim3A_359, %concatenate3A_353 : vector<512x128xi1>, vector<512x128xf32>
      %max3A_361 = arith.maximumf %max3A_350, %select_n3A_360 : vector<512x128xf32>
      %slice3A_362 = vector.extract_strided_slice %max3A_361 {offsets = [0, 124], sizes = [512, 4], strides = [1, 1]} : vector<512x128xf32> to vector<512x4xf32>
      %slice3A_363 = vector.extract_strided_slice %max3A_361 {offsets = [0, 0], sizes = [512, 124], strides = [1, 1]} : vector<512x128xf32> to vector<512x124xf32>
      %concatenate3A_364 = tpu.concatenate %slice3A_362, %slice3A_363 in 1 : vector<512x4xf32>, vector<512x124xf32> -> vector<512x128xf32>
      %iota3A_365 = tpu.iota {dimensions = array<i32: 1>} : vector<512x128xi32>
      %lt3A_366 = arith.constant 4 : i32
      %lt3A_367 = vector.broadcast %lt3A_366 : i32 to vector<512x128xi32>
      %lt3A_368 = arith.cmpi slt, %iota3A_365, %lt3A_367 : vector<512x128xi32>
      %jit3A_369 = arith.constant -3.000000e+38 : f32
      %broadcast_in_dim3A_370 = vector.broadcast %jit3A_369 : f32 to vector<512x128xf32>
      %select_n3A_371 = arith.select %lt3A_368, %broadcast_in_dim3A_370, %concatenate3A_364 : vector<512x128xi1>, vector<512x128xf32>
      %max3A_372 = arith.maximumf %max3A_361, %select_n3A_371 : vector<512x128xf32>
      %slice3A_373 = vector.extract_strided_slice %max3A_372 {offsets = [0, 120], sizes = [512, 8], strides = [1, 1]} : vector<512x128xf32> to vector<512x8xf32>
      %slice3A_374 = vector.extract_strided_slice %max3A_372 {offsets = [0, 0], sizes = [512, 120], strides = [1, 1]} : vector<512x128xf32> to vector<512x120xf32>
      %concatenate3A_375 = tpu.concatenate %slice3A_373, %slice3A_374 in 1 : vector<512x8xf32>, vector<512x120xf32> -> vector<512x128xf32>
      %iota3A_376 = tpu.iota {dimensions = array<i32: 1>} : vector<512x128xi32>
      %lt3A_377 = arith.constant 8 : i32
      %lt3A_378 = vector.broadcast %lt3A_377 : i32 to vector<512x128xi32>
      %lt3A_379 = arith.cmpi slt, %iota3A_376, %lt3A_378 : vector<512x128xi32>
      %jit3A_380 = arith.constant -3.000000e+38 : f32
      %broadcast_in_dim3A_381 = vector.broadcast %jit3A_380 : f32 to vector<512x128xf32>
      %select_n3A_382 = arith.select %lt3A_379, %broadcast_in_dim3A_381, %concatenate3A_375 : vector<512x128xi1>, vector<512x128xf32>
      %max3A_383 = arith.maximumf %max3A_372, %select_n3A_382 : vector<512x128xf32>
      %slice3A_384 = vector.extract_strided_slice %max3A_383 {offsets = [0, 112], sizes = [512, 16], strides = [1, 1]} : vector<512x128xf32> to vector<512x16xf32>
      %slice3A_385 = vector.extract_strided_slice %max3A_383 {offsets = [0, 0], sizes = [512, 112], strides = [1, 1]} : vector<512x128xf32> to vector<512x112xf32>
      %concatenate3A_386 = tpu.concatenate %slice3A_384, %slice3A_385 in 1 : vector<512x16xf32>, vector<512x112xf32> -> vector<512x128xf32>
      %iota3A_387 = tpu.iota {dimensions = array<i32: 1>} : vector<512x128xi32>
      %lt3A_388 = arith.constant 16 : i32
      %lt3A_389 = vector.broadcast %lt3A_388 : i32 to vector<512x128xi32>
      %lt3A_390 = arith.cmpi slt, %iota3A_387, %lt3A_389 : vector<512x128xi32>
      %jit3A_391 = arith.constant -3.000000e+38 : f32
      %broadcast_in_dim3A_392 = vector.broadcast %jit3A_391 : f32 to vector<512x128xf32>
      %select_n3A_393 = arith.select %lt3A_390, %broadcast_in_dim3A_392, %concatenate3A_386 : vector<512x128xi1>, vector<512x128xf32>
      %max3A_394 = arith.maximumf %max3A_383, %select_n3A_393 : vector<512x128xf32>
      %slice3A_395 = vector.extract_strided_slice %max3A_394 {offsets = [0, 96], sizes = [512, 32], strides = [1, 1]} : vector<512x128xf32> to vector<512x32xf32>
      %slice3A_396 = vector.extract_strided_slice %max3A_394 {offsets = [0, 0], sizes = [512, 96], strides = [1, 1]} : vector<512x128xf32> to vector<512x96xf32>
      %concatenate3A_397 = tpu.concatenate %slice3A_395, %slice3A_396 in 1 : vector<512x32xf32>, vector<512x96xf32> -> vector<512x128xf32>
      %iota3A_398 = tpu.iota {dimensions = array<i32: 1>} : vector<512x128xi32>
      %lt3A_399 = arith.constant 32 : i32
      %lt3A_400 = vector.broadcast %lt3A_399 : i32 to vector<512x128xi32>
      %lt3A_401 = arith.cmpi slt, %iota3A_398, %lt3A_400 : vector<512x128xi32>
      %jit3A_402 = arith.constant -3.000000e+38 : f32
      %broadcast_in_dim3A_403 = vector.broadcast %jit3A_402 : f32 to vector<512x128xf32>
      %select_n3A_404 = arith.select %lt3A_401, %broadcast_in_dim3A_403, %concatenate3A_397 : vector<512x128xi1>, vector<512x128xf32>
      %max3A_405 = arith.maximumf %max3A_394, %select_n3A_404 : vector<512x128xf32>
      %slice3A_406 = vector.extract_strided_slice %max3A_405 {offsets = [0, 64], sizes = [512, 64], strides = [1, 1]} : vector<512x128xf32> to vector<512x64xf32>
      %slice3A_407 = vector.extract_strided_slice %max3A_405 {offsets = [0, 0], sizes = [512, 64], strides = [1, 1]} : vector<512x128xf32> to vector<512x64xf32>
      %concatenate3A_408 = tpu.concatenate %slice3A_406, %slice3A_407 in 1 : vector<512x64xf32>, vector<512x64xf32> -> vector<512x128xf32>
      %iota3A_409 = tpu.iota {dimensions = array<i32: 1>} : vector<512x128xi32>
      %lt3A_410 = arith.constant 64 : i32
      %lt3A_411 = vector.broadcast %lt3A_410 : i32 to vector<512x128xi32>
      %lt3A_412 = arith.cmpi slt, %iota3A_409, %lt3A_411 : vector<512x128xi32>
      %jit3A_413 = arith.constant -3.000000e+38 : f32
      %broadcast_in_dim3A_414 = vector.broadcast %jit3A_413 : f32 to vector<512x128xf32>
      %select_n3A_415 = arith.select %lt3A_412, %broadcast_in_dim3A_414, %concatenate3A_408 : vector<512x128xi1>, vector<512x128xf32>
      %max3A_416 = arith.maximumf %max3A_405, %select_n3A_415 : vector<512x128xf32>
      %add3A_417 = arith.addf %dot_general3A_324, %max3A_416 : vector<512x128xf32>
      %get3A_418 = arith.constant 0 : index
      %get3A_419 = arith.constant 640 : index
      %get3A_420 = vector.load %arg2[%get3A_418, %get3A_419] : memref<512x1024xf32, #tpu.memory_space<vmem>>, vector<512x128xf32>
      %mul3A_421 = arith.constant 5.000000e-01 : f32
      %mul3A_422 = vector.broadcast %mul3A_421 : f32 to vector<512x128xf32>
      %mul3A_423 = arith.mulf %mul3A_422, %get3A_420 : vector<512x128xf32>
      %dot_general3A_424 = arith.constant dense<0.000000e+00> : vector<512x128xf32>
      %dot_general3A_425 = tpu.matmul %mul3A_423, %get3A_1, %dot_general3A_424 {dimension_numbers = #tpu.dot_dimension_numbers<[1], [0], [0], [1], [0, 0, 1, 1], [], []>, transpose_lhs_hint = false} : vector<512x128xf32>, vector<128x128xf32>, vector<512x128xf32> -> vector<512x128xf32>
      %add3A_426 = arith.addf %add3A_417, %mul3A_322 : vector<512x128xf32>
      %add3A_427 = arith.addf %add3A_426, %mul3A_423 : vector<512x128xf32>
      %slice3A_428 = vector.extract_strided_slice %add3A_426 {offsets = [0, 127], sizes = [512, 1], strides = [1, 1]} : vector<512x128xf32> to vector<512x1xf32>
      %slice3A_429 = vector.extract_strided_slice %add3A_426 {offsets = [0, 0], sizes = [512, 127], strides = [1, 1]} : vector<512x128xf32> to vector<512x127xf32>
      %concatenate3A_430 = tpu.concatenate %slice3A_428, %slice3A_429 in 1 : vector<512x1xf32>, vector<512x127xf32> -> vector<512x128xf32>
      %iota3A_431 = tpu.iota {dimensions = array<i32: 1>} : vector<512x128xi32>
      %lt3A_432 = arith.constant 1 : i32
      %lt3A_433 = vector.broadcast %lt3A_432 : i32 to vector<512x128xi32>
      %lt3A_434 = arith.cmpi slt, %iota3A_431, %lt3A_433 : vector<512x128xi32>
      %jit3A_435 = arith.constant -3.000000e+38 : f32
      %broadcast_in_dim3A_436 = vector.broadcast %jit3A_435 : f32 to vector<512x128xf32>
      %select_n3A_437 = arith.select %lt3A_434, %broadcast_in_dim3A_436, %concatenate3A_430 : vector<512x128xi1>, vector<512x128xf32>
      %add3A_438 = arith.addf %select_n3A_437, %mul3A_423 : vector<512x128xf32>
      %max3A_439 = arith.maximumf %add3A_427, %add3A_438 : vector<512x128xf32>
      %sub3A_440 = arith.subf %max3A_439, %dot_general3A_425 : vector<512x128xf32>
      %slice3A_441 = vector.extract_strided_slice %sub3A_440 {offsets = [0, 127], sizes = [512, 1], strides = [1, 1]} : vector<512x128xf32> to vector<512x1xf32>
      %slice3A_442 = vector.extract_strided_slice %sub3A_440 {offsets = [0, 0], sizes = [512, 127], strides = [1, 1]} : vector<512x128xf32> to vector<512x127xf32>
      %concatenate3A_443 = tpu.concatenate %slice3A_441, %slice3A_442 in 1 : vector<512x1xf32>, vector<512x127xf32> -> vector<512x128xf32>
      %iota3A_444 = tpu.iota {dimensions = array<i32: 1>} : vector<512x128xi32>
      %lt3A_445 = arith.constant 1 : i32
      %lt3A_446 = vector.broadcast %lt3A_445 : i32 to vector<512x128xi32>
      %lt3A_447 = arith.cmpi slt, %iota3A_444, %lt3A_446 : vector<512x128xi32>
      %jit3A_448 = arith.constant -3.000000e+38 : f32
      %broadcast_in_dim3A_449 = vector.broadcast %jit3A_448 : f32 to vector<512x128xf32>
      %select_n3A_450 = arith.select %lt3A_447, %broadcast_in_dim3A_449, %concatenate3A_443 : vector<512x128xi1>, vector<512x128xf32>
      %max3A_451 = arith.maximumf %sub3A_440, %select_n3A_450 : vector<512x128xf32>
      %slice3A_452 = vector.extract_strided_slice %max3A_451 {offsets = [0, 126], sizes = [512, 2], strides = [1, 1]} : vector<512x128xf32> to vector<512x2xf32>
      %slice3A_453 = vector.extract_strided_slice %max3A_451 {offsets = [0, 0], sizes = [512, 126], strides = [1, 1]} : vector<512x128xf32> to vector<512x126xf32>
      %concatenate3A_454 = tpu.concatenate %slice3A_452, %slice3A_453 in 1 : vector<512x2xf32>, vector<512x126xf32> -> vector<512x128xf32>
      %iota3A_455 = tpu.iota {dimensions = array<i32: 1>} : vector<512x128xi32>
      %lt3A_456 = arith.constant 2 : i32
      %lt3A_457 = vector.broadcast %lt3A_456 : i32 to vector<512x128xi32>
      %lt3A_458 = arith.cmpi slt, %iota3A_455, %lt3A_457 : vector<512x128xi32>
      %jit3A_459 = arith.constant -3.000000e+38 : f32
      %broadcast_in_dim3A_460 = vector.broadcast %jit3A_459 : f32 to vector<512x128xf32>
      %select_n3A_461 = arith.select %lt3A_458, %broadcast_in_dim3A_460, %concatenate3A_454 : vector<512x128xi1>, vector<512x128xf32>
      %max3A_462 = arith.maximumf %max3A_451, %select_n3A_461 : vector<512x128xf32>
      %slice3A_463 = vector.extract_strided_slice %max3A_462 {offsets = [0, 124], sizes = [512, 4], strides = [1, 1]} : vector<512x128xf32> to vector<512x4xf32>
      %slice3A_464 = vector.extract_strided_slice %max3A_462 {offsets = [0, 0], sizes = [512, 124], strides = [1, 1]} : vector<512x128xf32> to vector<512x124xf32>
      %concatenate3A_465 = tpu.concatenate %slice3A_463, %slice3A_464 in 1 : vector<512x4xf32>, vector<512x124xf32> -> vector<512x128xf32>
      %iota3A_466 = tpu.iota {dimensions = array<i32: 1>} : vector<512x128xi32>
      %lt3A_467 = arith.constant 4 : i32
      %lt3A_468 = vector.broadcast %lt3A_467 : i32 to vector<512x128xi32>
      %lt3A_469 = arith.cmpi slt, %iota3A_466, %lt3A_468 : vector<512x128xi32>
      %jit3A_470 = arith.constant -3.000000e+38 : f32
      %broadcast_in_dim3A_471 = vector.broadcast %jit3A_470 : f32 to vector<512x128xf32>
      %select_n3A_472 = arith.select %lt3A_469, %broadcast_in_dim3A_471, %concatenate3A_465 : vector<512x128xi1>, vector<512x128xf32>
      %max3A_473 = arith.maximumf %max3A_462, %select_n3A_472 : vector<512x128xf32>
      %slice3A_474 = vector.extract_strided_slice %max3A_473 {offsets = [0, 120], sizes = [512, 8], strides = [1, 1]} : vector<512x128xf32> to vector<512x8xf32>
      %slice3A_475 = vector.extract_strided_slice %max3A_473 {offsets = [0, 0], sizes = [512, 120], strides = [1, 1]} : vector<512x128xf32> to vector<512x120xf32>
      %concatenate3A_476 = tpu.concatenate %slice3A_474, %slice3A_475 in 1 : vector<512x8xf32>, vector<512x120xf32> -> vector<512x128xf32>
      %iota3A_477 = tpu.iota {dimensions = array<i32: 1>} : vector<512x128xi32>
      %lt3A_478 = arith.constant 8 : i32
      %lt3A_479 = vector.broadcast %lt3A_478 : i32 to vector<512x128xi32>
      %lt3A_480 = arith.cmpi slt, %iota3A_477, %lt3A_479 : vector<512x128xi32>
      %jit3A_481 = arith.constant -3.000000e+38 : f32
      %broadcast_in_dim3A_482 = vector.broadcast %jit3A_481 : f32 to vector<512x128xf32>
      %select_n3A_483 = arith.select %lt3A_480, %broadcast_in_dim3A_482, %concatenate3A_476 : vector<512x128xi1>, vector<512x128xf32>
      %max3A_484 = arith.maximumf %max3A_473, %select_n3A_483 : vector<512x128xf32>
      %slice3A_485 = vector.extract_strided_slice %max3A_484 {offsets = [0, 112], sizes = [512, 16], strides = [1, 1]} : vector<512x128xf32> to vector<512x16xf32>
      %slice3A_486 = vector.extract_strided_slice %max3A_484 {offsets = [0, 0], sizes = [512, 112], strides = [1, 1]} : vector<512x128xf32> to vector<512x112xf32>
      %concatenate3A_487 = tpu.concatenate %slice3A_485, %slice3A_486 in 1 : vector<512x16xf32>, vector<512x112xf32> -> vector<512x128xf32>
      %iota3A_488 = tpu.iota {dimensions = array<i32: 1>} : vector<512x128xi32>
      %lt3A_489 = arith.constant 16 : i32
      %lt3A_490 = vector.broadcast %lt3A_489 : i32 to vector<512x128xi32>
      %lt3A_491 = arith.cmpi slt, %iota3A_488, %lt3A_490 : vector<512x128xi32>
      %jit3A_492 = arith.constant -3.000000e+38 : f32
      %broadcast_in_dim3A_493 = vector.broadcast %jit3A_492 : f32 to vector<512x128xf32>
      %select_n3A_494 = arith.select %lt3A_491, %broadcast_in_dim3A_493, %concatenate3A_487 : vector<512x128xi1>, vector<512x128xf32>
      %max3A_495 = arith.maximumf %max3A_484, %select_n3A_494 : vector<512x128xf32>
      %slice3A_496 = vector.extract_strided_slice %max3A_495 {offsets = [0, 96], sizes = [512, 32], strides = [1, 1]} : vector<512x128xf32> to vector<512x32xf32>
      %slice3A_497 = vector.extract_strided_slice %max3A_495 {offsets = [0, 0], sizes = [512, 96], strides = [1, 1]} : vector<512x128xf32> to vector<512x96xf32>
      %concatenate3A_498 = tpu.concatenate %slice3A_496, %slice3A_497 in 1 : vector<512x32xf32>, vector<512x96xf32> -> vector<512x128xf32>
      %iota3A_499 = tpu.iota {dimensions = array<i32: 1>} : vector<512x128xi32>
      %lt3A_500 = arith.constant 32 : i32
      %lt3A_501 = vector.broadcast %lt3A_500 : i32 to vector<512x128xi32>
      %lt3A_502 = arith.cmpi slt, %iota3A_499, %lt3A_501 : vector<512x128xi32>
      %jit3A_503 = arith.constant -3.000000e+38 : f32
      %broadcast_in_dim3A_504 = vector.broadcast %jit3A_503 : f32 to vector<512x128xf32>
      %select_n3A_505 = arith.select %lt3A_502, %broadcast_in_dim3A_504, %concatenate3A_498 : vector<512x128xi1>, vector<512x128xf32>
      %max3A_506 = arith.maximumf %max3A_495, %select_n3A_505 : vector<512x128xf32>
      %slice3A_507 = vector.extract_strided_slice %max3A_506 {offsets = [0, 64], sizes = [512, 64], strides = [1, 1]} : vector<512x128xf32> to vector<512x64xf32>
      %slice3A_508 = vector.extract_strided_slice %max3A_506 {offsets = [0, 0], sizes = [512, 64], strides = [1, 1]} : vector<512x128xf32> to vector<512x64xf32>
      %concatenate3A_509 = tpu.concatenate %slice3A_507, %slice3A_508 in 1 : vector<512x64xf32>, vector<512x64xf32> -> vector<512x128xf32>
      %iota3A_510 = tpu.iota {dimensions = array<i32: 1>} : vector<512x128xi32>
      %lt3A_511 = arith.constant 64 : i32
      %lt3A_512 = vector.broadcast %lt3A_511 : i32 to vector<512x128xi32>
      %lt3A_513 = arith.cmpi slt, %iota3A_510, %lt3A_512 : vector<512x128xi32>
      %jit3A_514 = arith.constant -3.000000e+38 : f32
      %broadcast_in_dim3A_515 = vector.broadcast %jit3A_514 : f32 to vector<512x128xf32>
      %select_n3A_516 = arith.select %lt3A_513, %broadcast_in_dim3A_515, %concatenate3A_509 : vector<512x128xi1>, vector<512x128xf32>
      %max3A_517 = arith.maximumf %max3A_506, %select_n3A_516 : vector<512x128xf32>
      %add3A_518 = arith.addf %dot_general3A_425, %max3A_517 : vector<512x128xf32>
      %get3A_519 = arith.constant 0 : index
      %get3A_520 = arith.constant 768 : index
      %get3A_521 = vector.load %arg2[%get3A_519, %get3A_520] : memref<512x1024xf32, #tpu.memory_space<vmem>>, vector<512x128xf32>
      %mul3A_522 = arith.constant 5.000000e-01 : f32
      %mul3A_523 = vector.broadcast %mul3A_522 : f32 to vector<512x128xf32>
      %mul3A_524 = arith.mulf %mul3A_523, %get3A_521 : vector<512x128xf32>
      %dot_general3A_525 = arith.constant dense<0.000000e+00> : vector<512x128xf32>
      %dot_general3A_526 = tpu.matmul %mul3A_524, %get3A_1, %dot_general3A_525 {dimension_numbers = #tpu.dot_dimension_numbers<[1], [0], [0], [1], [0, 0, 1, 1], [], []>, transpose_lhs_hint = false} : vector<512x128xf32>, vector<128x128xf32>, vector<512x128xf32> -> vector<512x128xf32>
      %add3A_527 = arith.addf %add3A_518, %mul3A_423 : vector<512x128xf32>
      %add3A_528 = arith.addf %add3A_527, %mul3A_524 : vector<512x128xf32>
      %slice3A_529 = vector.extract_strided_slice %add3A_527 {offsets = [0, 127], sizes = [512, 1], strides = [1, 1]} : vector<512x128xf32> to vector<512x1xf32>
      %slice3A_530 = vector.extract_strided_slice %add3A_527 {offsets = [0, 0], sizes = [512, 127], strides = [1, 1]} : vector<512x128xf32> to vector<512x127xf32>
      %concatenate3A_531 = tpu.concatenate %slice3A_529, %slice3A_530 in 1 : vector<512x1xf32>, vector<512x127xf32> -> vector<512x128xf32>
      %iota3A_532 = tpu.iota {dimensions = array<i32: 1>} : vector<512x128xi32>
      %lt3A_533 = arith.constant 1 : i32
      %lt3A_534 = vector.broadcast %lt3A_533 : i32 to vector<512x128xi32>
      %lt3A_535 = arith.cmpi slt, %iota3A_532, %lt3A_534 : vector<512x128xi32>
      %jit3A_536 = arith.constant -3.000000e+38 : f32
      %broadcast_in_dim3A_537 = vector.broadcast %jit3A_536 : f32 to vector<512x128xf32>
      %select_n3A_538 = arith.select %lt3A_535, %broadcast_in_dim3A_537, %concatenate3A_531 : vector<512x128xi1>, vector<512x128xf32>
      %add3A_539 = arith.addf %select_n3A_538, %mul3A_524 : vector<512x128xf32>
      %max3A_540 = arith.maximumf %add3A_528, %add3A_539 : vector<512x128xf32>
      %sub3A_541 = arith.subf %max3A_540, %dot_general3A_526 : vector<512x128xf32>
      %slice3A_542 = vector.extract_strided_slice %sub3A_541 {offsets = [0, 127], sizes = [512, 1], strides = [1, 1]} : vector<512x128xf32> to vector<512x1xf32>
      %slice3A_543 = vector.extract_strided_slice %sub3A_541 {offsets = [0, 0], sizes = [512, 127], strides = [1, 1]} : vector<512x128xf32> to vector<512x127xf32>
      %concatenate3A_544 = tpu.concatenate %slice3A_542, %slice3A_543 in 1 : vector<512x1xf32>, vector<512x127xf32> -> vector<512x128xf32>
      %iota3A_545 = tpu.iota {dimensions = array<i32: 1>} : vector<512x128xi32>
      %lt3A_546 = arith.constant 1 : i32
      %lt3A_547 = vector.broadcast %lt3A_546 : i32 to vector<512x128xi32>
      %lt3A_548 = arith.cmpi slt, %iota3A_545, %lt3A_547 : vector<512x128xi32>
      %jit3A_549 = arith.constant -3.000000e+38 : f32
      %broadcast_in_dim3A_550 = vector.broadcast %jit3A_549 : f32 to vector<512x128xf32>
      %select_n3A_551 = arith.select %lt3A_548, %broadcast_in_dim3A_550, %concatenate3A_544 : vector<512x128xi1>, vector<512x128xf32>
      %max3A_552 = arith.maximumf %sub3A_541, %select_n3A_551 : vector<512x128xf32>
      %slice3A_553 = vector.extract_strided_slice %max3A_552 {offsets = [0, 126], sizes = [512, 2], strides = [1, 1]} : vector<512x128xf32> to vector<512x2xf32>
      %slice3A_554 = vector.extract_strided_slice %max3A_552 {offsets = [0, 0], sizes = [512, 126], strides = [1, 1]} : vector<512x128xf32> to vector<512x126xf32>
      %concatenate3A_555 = tpu.concatenate %slice3A_553, %slice3A_554 in 1 : vector<512x2xf32>, vector<512x126xf32> -> vector<512x128xf32>
      %iota3A_556 = tpu.iota {dimensions = array<i32: 1>} : vector<512x128xi32>
      %lt3A_557 = arith.constant 2 : i32
      %lt3A_558 = vector.broadcast %lt3A_557 : i32 to vector<512x128xi32>
      %lt3A_559 = arith.cmpi slt, %iota3A_556, %lt3A_558 : vector<512x128xi32>
      %jit3A_560 = arith.constant -3.000000e+38 : f32
      %broadcast_in_dim3A_561 = vector.broadcast %jit3A_560 : f32 to vector<512x128xf32>
      %select_n3A_562 = arith.select %lt3A_559, %broadcast_in_dim3A_561, %concatenate3A_555 : vector<512x128xi1>, vector<512x128xf32>
      %max3A_563 = arith.maximumf %max3A_552, %select_n3A_562 : vector<512x128xf32>
      %slice3A_564 = vector.extract_strided_slice %max3A_563 {offsets = [0, 124], sizes = [512, 4], strides = [1, 1]} : vector<512x128xf32> to vector<512x4xf32>
      %slice3A_565 = vector.extract_strided_slice %max3A_563 {offsets = [0, 0], sizes = [512, 124], strides = [1, 1]} : vector<512x128xf32> to vector<512x124xf32>
      %concatenate3A_566 = tpu.concatenate %slice3A_564, %slice3A_565 in 1 : vector<512x4xf32>, vector<512x124xf32> -> vector<512x128xf32>
      %iota3A_567 = tpu.iota {dimensions = array<i32: 1>} : vector<512x128xi32>
      %lt3A_568 = arith.constant 4 : i32
      %lt3A_569 = vector.broadcast %lt3A_568 : i32 to vector<512x128xi32>
      %lt3A_570 = arith.cmpi slt, %iota3A_567, %lt3A_569 : vector<512x128xi32>
      %jit3A_571 = arith.constant -3.000000e+38 : f32
      %broadcast_in_dim3A_572 = vector.broadcast %jit3A_571 : f32 to vector<512x128xf32>
      %select_n3A_573 = arith.select %lt3A_570, %broadcast_in_dim3A_572, %concatenate3A_566 : vector<512x128xi1>, vector<512x128xf32>
      %max3A_574 = arith.maximumf %max3A_563, %select_n3A_573 : vector<512x128xf32>
      %slice3A_575 = vector.extract_strided_slice %max3A_574 {offsets = [0, 120], sizes = [512, 8], strides = [1, 1]} : vector<512x128xf32> to vector<512x8xf32>
      %slice3A_576 = vector.extract_strided_slice %max3A_574 {offsets = [0, 0], sizes = [512, 120], strides = [1, 1]} : vector<512x128xf32> to vector<512x120xf32>
      %concatenate3A_577 = tpu.concatenate %slice3A_575, %slice3A_576 in 1 : vector<512x8xf32>, vector<512x120xf32> -> vector<512x128xf32>
      %iota3A_578 = tpu.iota {dimensions = array<i32: 1>} : vector<512x128xi32>
      %lt3A_579 = arith.constant 8 : i32
      %lt3A_580 = vector.broadcast %lt3A_579 : i32 to vector<512x128xi32>
      %lt3A_581 = arith.cmpi slt, %iota3A_578, %lt3A_580 : vector<512x128xi32>
      %jit3A_582 = arith.constant -3.000000e+38 : f32
      %broadcast_in_dim3A_583 = vector.broadcast %jit3A_582 : f32 to vector<512x128xf32>
      %select_n3A_584 = arith.select %lt3A_581, %broadcast_in_dim3A_583, %concatenate3A_577 : vector<512x128xi1>, vector<512x128xf32>
      %max3A_585 = arith.maximumf %max3A_574, %select_n3A_584 : vector<512x128xf32>
      %slice3A_586 = vector.extract_strided_slice %max3A_585 {offsets = [0, 112], sizes = [512, 16], strides = [1, 1]} : vector<512x128xf32> to vector<512x16xf32>
      %slice3A_587 = vector.extract_strided_slice %max3A_585 {offsets = [0, 0], sizes = [512, 112], strides = [1, 1]} : vector<512x128xf32> to vector<512x112xf32>
      %concatenate3A_588 = tpu.concatenate %slice3A_586, %slice3A_587 in 1 : vector<512x16xf32>, vector<512x112xf32> -> vector<512x128xf32>
      %iota3A_589 = tpu.iota {dimensions = array<i32: 1>} : vector<512x128xi32>
      %lt3A_590 = arith.constant 16 : i32
      %lt3A_591 = vector.broadcast %lt3A_590 : i32 to vector<512x128xi32>
      %lt3A_592 = arith.cmpi slt, %iota3A_589, %lt3A_591 : vector<512x128xi32>
      %jit3A_593 = arith.constant -3.000000e+38 : f32
      %broadcast_in_dim3A_594 = vector.broadcast %jit3A_593 : f32 to vector<512x128xf32>
      %select_n3A_595 = arith.select %lt3A_592, %broadcast_in_dim3A_594, %concatenate3A_588 : vector<512x128xi1>, vector<512x128xf32>
      %max3A_596 = arith.maximumf %max3A_585, %select_n3A_595 : vector<512x128xf32>
      %slice3A_597 = vector.extract_strided_slice %max3A_596 {offsets = [0, 96], sizes = [512, 32], strides = [1, 1]} : vector<512x128xf32> to vector<512x32xf32>
      %slice3A_598 = vector.extract_strided_slice %max3A_596 {offsets = [0, 0], sizes = [512, 96], strides = [1, 1]} : vector<512x128xf32> to vector<512x96xf32>
      %concatenate3A_599 = tpu.concatenate %slice3A_597, %slice3A_598 in 1 : vector<512x32xf32>, vector<512x96xf32> -> vector<512x128xf32>
      %iota3A_600 = tpu.iota {dimensions = array<i32: 1>} : vector<512x128xi32>
      %lt3A_601 = arith.constant 32 : i32
      %lt3A_602 = vector.broadcast %lt3A_601 : i32 to vector<512x128xi32>
      %lt3A_603 = arith.cmpi slt, %iota3A_600, %lt3A_602 : vector<512x128xi32>
      %jit3A_604 = arith.constant -3.000000e+38 : f32
      %broadcast_in_dim3A_605 = vector.broadcast %jit3A_604 : f32 to vector<512x128xf32>
      %select_n3A_606 = arith.select %lt3A_603, %broadcast_in_dim3A_605, %concatenate3A_599 : vector<512x128xi1>, vector<512x128xf32>
      %max3A_607 = arith.maximumf %max3A_596, %select_n3A_606 : vector<512x128xf32>
      %slice3A_608 = vector.extract_strided_slice %max3A_607 {offsets = [0, 64], sizes = [512, 64], strides = [1, 1]} : vector<512x128xf32> to vector<512x64xf32>
      %slice3A_609 = vector.extract_strided_slice %max3A_607 {offsets = [0, 0], sizes = [512, 64], strides = [1, 1]} : vector<512x128xf32> to vector<512x64xf32>
      %concatenate3A_610 = tpu.concatenate %slice3A_608, %slice3A_609 in 1 : vector<512x64xf32>, vector<512x64xf32> -> vector<512x128xf32>
      %iota3A_611 = tpu.iota {dimensions = array<i32: 1>} : vector<512x128xi32>
      %lt3A_612 = arith.constant 64 : i32
      %lt3A_613 = vector.broadcast %lt3A_612 : i32 to vector<512x128xi32>
      %lt3A_614 = arith.cmpi slt, %iota3A_611, %lt3A_613 : vector<512x128xi32>
      %jit3A_615 = arith.constant -3.000000e+38 : f32
      %broadcast_in_dim3A_616 = vector.broadcast %jit3A_615 : f32 to vector<512x128xf32>
      %select_n3A_617 = arith.select %lt3A_614, %broadcast_in_dim3A_616, %concatenate3A_610 : vector<512x128xi1>, vector<512x128xf32>
      %max3A_618 = arith.maximumf %max3A_607, %select_n3A_617 : vector<512x128xf32>
      %add3A_619 = arith.addf %dot_general3A_526, %max3A_618 : vector<512x128xf32>
      %get3A_620 = arith.constant 0 : index
      %get3A_621 = arith.constant 896 : index
      %get3A_622 = vector.load %arg2[%get3A_620, %get3A_621] : memref<512x1024xf32, #tpu.memory_space<vmem>>, vector<512x128xf32>
      %mul3A_623 = arith.constant 5.000000e-01 : f32
      %mul3A_624 = vector.broadcast %mul3A_623 : f32 to vector<512x128xf32>
      %mul3A_625 = arith.mulf %mul3A_624, %get3A_622 : vector<512x128xf32>
      %dot_general3A_626 = arith.constant dense<0.000000e+00> : vector<512x128xf32>
      %dot_general3A_627 = tpu.matmul %mul3A_625, %get3A_1, %dot_general3A_626 {dimension_numbers = #tpu.dot_dimension_numbers<[1], [0], [0], [1], [0, 0, 1, 1], [], []>, transpose_lhs_hint = false} : vector<512x128xf32>, vector<128x128xf32>, vector<512x128xf32> -> vector<512x128xf32>
      %add3A_628 = arith.addf %add3A_619, %mul3A_524 : vector<512x128xf32>
      %add3A_629 = arith.addf %add3A_628, %mul3A_625 : vector<512x128xf32>
      %slice3A_630 = vector.extract_strided_slice %add3A_628 {offsets = [0, 127], sizes = [512, 1], strides = [1, 1]} : vector<512x128xf32> to vector<512x1xf32>
      %slice3A_631 = vector.extract_strided_slice %add3A_628 {offsets = [0, 0], sizes = [512, 127], strides = [1, 1]} : vector<512x128xf32> to vector<512x127xf32>
      %concatenate3A_632 = tpu.concatenate %slice3A_630, %slice3A_631 in 1 : vector<512x1xf32>, vector<512x127xf32> -> vector<512x128xf32>
      %iota3A_633 = tpu.iota {dimensions = array<i32: 1>} : vector<512x128xi32>
      %lt3A_634 = arith.constant 1 : i32
      %lt3A_635 = vector.broadcast %lt3A_634 : i32 to vector<512x128xi32>
      %lt3A_636 = arith.cmpi slt, %iota3A_633, %lt3A_635 : vector<512x128xi32>
      %jit3A_637 = arith.constant -3.000000e+38 : f32
      %broadcast_in_dim3A_638 = vector.broadcast %jit3A_637 : f32 to vector<512x128xf32>
      %select_n3A_639 = arith.select %lt3A_636, %broadcast_in_dim3A_638, %concatenate3A_632 : vector<512x128xi1>, vector<512x128xf32>
      %add3A_640 = arith.addf %select_n3A_639, %mul3A_625 : vector<512x128xf32>
      %max3A_641 = arith.maximumf %add3A_629, %add3A_640 : vector<512x128xf32>
      %sub3A_642 = arith.subf %max3A_641, %dot_general3A_627 : vector<512x128xf32>
      %slice3A_643 = vector.extract_strided_slice %sub3A_642 {offsets = [0, 127], sizes = [512, 1], strides = [1, 1]} : vector<512x128xf32> to vector<512x1xf32>
      %slice3A_644 = vector.extract_strided_slice %sub3A_642 {offsets = [0, 0], sizes = [512, 127], strides = [1, 1]} : vector<512x128xf32> to vector<512x127xf32>
      %concatenate3A_645 = tpu.concatenate %slice3A_643, %slice3A_644 in 1 : vector<512x1xf32>, vector<512x127xf32> -> vector<512x128xf32>
      %iota3A_646 = tpu.iota {dimensions = array<i32: 1>} : vector<512x128xi32>
      %lt3A_647 = arith.constant 1 : i32
      %lt3A_648 = vector.broadcast %lt3A_647 : i32 to vector<512x128xi32>
      %lt3A_649 = arith.cmpi slt, %iota3A_646, %lt3A_648 : vector<512x128xi32>
      %jit3A_650 = arith.constant -3.000000e+38 : f32
      %broadcast_in_dim3A_651 = vector.broadcast %jit3A_650 : f32 to vector<512x128xf32>
      %select_n3A_652 = arith.select %lt3A_649, %broadcast_in_dim3A_651, %concatenate3A_645 : vector<512x128xi1>, vector<512x128xf32>
      %max3A_653 = arith.maximumf %sub3A_642, %select_n3A_652 : vector<512x128xf32>
      %slice3A_654 = vector.extract_strided_slice %max3A_653 {offsets = [0, 126], sizes = [512, 2], strides = [1, 1]} : vector<512x128xf32> to vector<512x2xf32>
      %slice3A_655 = vector.extract_strided_slice %max3A_653 {offsets = [0, 0], sizes = [512, 126], strides = [1, 1]} : vector<512x128xf32> to vector<512x126xf32>
      %concatenate3A_656 = tpu.concatenate %slice3A_654, %slice3A_655 in 1 : vector<512x2xf32>, vector<512x126xf32> -> vector<512x128xf32>
      %iota3A_657 = tpu.iota {dimensions = array<i32: 1>} : vector<512x128xi32>
      %lt3A_658 = arith.constant 2 : i32
      %lt3A_659 = vector.broadcast %lt3A_658 : i32 to vector<512x128xi32>
      %lt3A_660 = arith.cmpi slt, %iota3A_657, %lt3A_659 : vector<512x128xi32>
      %jit3A_661 = arith.constant -3.000000e+38 : f32
      %broadcast_in_dim3A_662 = vector.broadcast %jit3A_661 : f32 to vector<512x128xf32>
      %select_n3A_663 = arith.select %lt3A_660, %broadcast_in_dim3A_662, %concatenate3A_656 : vector<512x128xi1>, vector<512x128xf32>
      %max3A_664 = arith.maximumf %max3A_653, %select_n3A_663 : vector<512x128xf32>
      %slice3A_665 = vector.extract_strided_slice %max3A_664 {offsets = [0, 124], sizes = [512, 4], strides = [1, 1]} : vector<512x128xf32> to vector<512x4xf32>
      %slice3A_666 = vector.extract_strided_slice %max3A_664 {offsets = [0, 0], sizes = [512, 124], strides = [1, 1]} : vector<512x128xf32> to vector<512x124xf32>
      %concatenate3A_667 = tpu.concatenate %slice3A_665, %slice3A_666 in 1 : vector<512x4xf32>, vector<512x124xf32> -> vector<512x128xf32>
      %iota3A_668 = tpu.iota {dimensions = array<i32: 1>} : vector<512x128xi32>
      %lt3A_669 = arith.constant 4 : i32
      %lt3A_670 = vector.broadcast %lt3A_669 : i32 to vector<512x128xi32>
      %lt3A_671 = arith.cmpi slt, %iota3A_668, %lt3A_670 : vector<512x128xi32>
      %jit3A_672 = arith.constant -3.000000e+38 : f32
      %broadcast_in_dim3A_673 = vector.broadcast %jit3A_672 : f32 to vector<512x128xf32>
      %select_n3A_674 = arith.select %lt3A_671, %broadcast_in_dim3A_673, %concatenate3A_667 : vector<512x128xi1>, vector<512x128xf32>
      %max3A_675 = arith.maximumf %max3A_664, %select_n3A_674 : vector<512x128xf32>
      %slice3A_676 = vector.extract_strided_slice %max3A_675 {offsets = [0, 120], sizes = [512, 8], strides = [1, 1]} : vector<512x128xf32> to vector<512x8xf32>
      %slice3A_677 = vector.extract_strided_slice %max3A_675 {offsets = [0, 0], sizes = [512, 120], strides = [1, 1]} : vector<512x128xf32> to vector<512x120xf32>
      %concatenate3A_678 = tpu.concatenate %slice3A_676, %slice3A_677 in 1 : vector<512x8xf32>, vector<512x120xf32> -> vector<512x128xf32>
      %iota3A_679 = tpu.iota {dimensions = array<i32: 1>} : vector<512x128xi32>
      %lt3A_680 = arith.constant 8 : i32
      %lt3A_681 = vector.broadcast %lt3A_680 : i32 to vector<512x128xi32>
      %lt3A_682 = arith.cmpi slt, %iota3A_679, %lt3A_681 : vector<512x128xi32>
      %jit3A_683 = arith.constant -3.000000e+38 : f32
      %broadcast_in_dim3A_684 = vector.broadcast %jit3A_683 : f32 to vector<512x128xf32>
      %select_n3A_685 = arith.select %lt3A_682, %broadcast_in_dim3A_684, %concatenate3A_678 : vector<512x128xi1>, vector<512x128xf32>
      %max3A_686 = arith.maximumf %max3A_675, %select_n3A_685 : vector<512x128xf32>
      %slice3A_687 = vector.extract_strided_slice %max3A_686 {offsets = [0, 112], sizes = [512, 16], strides = [1, 1]} : vector<512x128xf32> to vector<512x16xf32>
      %slice3A_688 = vector.extract_strided_slice %max3A_686 {offsets = [0, 0], sizes = [512, 112], strides = [1, 1]} : vector<512x128xf32> to vector<512x112xf32>
      %concatenate3A_689 = tpu.concatenate %slice3A_687, %slice3A_688 in 1 : vector<512x16xf32>, vector<512x112xf32> -> vector<512x128xf32>
      %iota3A_690 = tpu.iota {dimensions = array<i32: 1>} : vector<512x128xi32>
      %lt3A_691 = arith.constant 16 : i32
      %lt3A_692 = vector.broadcast %lt3A_691 : i32 to vector<512x128xi32>
      %lt3A_693 = arith.cmpi slt, %iota3A_690, %lt3A_692 : vector<512x128xi32>
      %jit3A_694 = arith.constant -3.000000e+38 : f32
      %broadcast_in_dim3A_695 = vector.broadcast %jit3A_694 : f32 to vector<512x128xf32>
      %select_n3A_696 = arith.select %lt3A_693, %broadcast_in_dim3A_695, %concatenate3A_689 : vector<512x128xi1>, vector<512x128xf32>
      %max3A_697 = arith.maximumf %max3A_686, %select_n3A_696 : vector<512x128xf32>
      %slice3A_698 = vector.extract_strided_slice %max3A_697 {offsets = [0, 96], sizes = [512, 32], strides = [1, 1]} : vector<512x128xf32> to vector<512x32xf32>
      %slice3A_699 = vector.extract_strided_slice %max3A_697 {offsets = [0, 0], sizes = [512, 96], strides = [1, 1]} : vector<512x128xf32> to vector<512x96xf32>
      %concatenate3A_700 = tpu.concatenate %slice3A_698, %slice3A_699 in 1 : vector<512x32xf32>, vector<512x96xf32> -> vector<512x128xf32>
      %iota3A_701 = tpu.iota {dimensions = array<i32: 1>} : vector<512x128xi32>
      %lt3A_702 = arith.constant 32 : i32
      %lt3A_703 = vector.broadcast %lt3A_702 : i32 to vector<512x128xi32>
      %lt3A_704 = arith.cmpi slt, %iota3A_701, %lt3A_703 : vector<512x128xi32>
      %jit3A_705 = arith.constant -3.000000e+38 : f32
      %broadcast_in_dim3A_706 = vector.broadcast %jit3A_705 : f32 to vector<512x128xf32>
      %select_n3A_707 = arith.select %lt3A_704, %broadcast_in_dim3A_706, %concatenate3A_700 : vector<512x128xi1>, vector<512x128xf32>
      %max3A_708 = arith.maximumf %max3A_697, %select_n3A_707 : vector<512x128xf32>
      %slice3A_709 = vector.extract_strided_slice %max3A_708 {offsets = [0, 64], sizes = [512, 64], strides = [1, 1]} : vector<512x128xf32> to vector<512x64xf32>
      %slice3A_710 = vector.extract_strided_slice %max3A_708 {offsets = [0, 0], sizes = [512, 64], strides = [1, 1]} : vector<512x128xf32> to vector<512x64xf32>
      %concatenate3A_711 = tpu.concatenate %slice3A_709, %slice3A_710 in 1 : vector<512x64xf32>, vector<512x64xf32> -> vector<512x128xf32>
      %iota3A_712 = tpu.iota {dimensions = array<i32: 1>} : vector<512x128xi32>
      %lt3A_713 = arith.constant 64 : i32
      %lt3A_714 = vector.broadcast %lt3A_713 : i32 to vector<512x128xi32>
      %lt3A_715 = arith.cmpi slt, %iota3A_712, %lt3A_714 : vector<512x128xi32>
      %jit3A_716 = arith.constant -3.000000e+38 : f32
      %broadcast_in_dim3A_717 = vector.broadcast %jit3A_716 : f32 to vector<512x128xf32>
      %select_n3A_718 = arith.select %lt3A_715, %broadcast_in_dim3A_717, %concatenate3A_711 : vector<512x128xi1>, vector<512x128xf32>
      %max3A_719 = arith.maximumf %max3A_708, %select_n3A_718 : vector<512x128xf32>
      %add3A_720 = arith.addf %dot_general3A_627, %max3A_719 : vector<512x128xf32>
      %swap3A_721 = arith.constant 0 : index
      %swap3A_722 = arith.constant 0 : index
      %swap3A_723 = vector.load %arg5[%swap3A_721, %swap3A_722] : memref<512x128xf32, #tpu.memory_space<vmem>>, vector<512x128xf32>
      tpu.vector_store %arg5[%swap3A_721, %swap3A_722], %add3A_720 {strides = array<i32>} : memref<512x128xf32, #tpu.memory_space<vmem>>, vector<512x128xf32>,
      %swap3A_724 = arith.constant 0 : index
      %swap3A_725 = arith.constant 0 : index
      %swap3A_726 = vector.load %arg6[%swap3A_724, %swap3A_725] : memref<512x128xf32, #tpu.memory_space<vmem>>, vector<512x128xf32>
      tpu.vector_store %arg6[%swap3A_724, %swap3A_725], %mul3A_625 {strides = array<i32>} : memref<512x128xf32, #tpu.memory_space<vmem>>, vector<512x128xf32>,
    } else {
    }
    %ne3A = arith.constant 0 : i32
    %ne3A_4 = arith.cmpi ne, %arg1, %ne3A : i32
    %convert_element_type3A_5 = arith.extui %ne3A_4 : i1 to i32
    %cond3A_6 = arith.constant 0 : i32
    %cond3A_7 = arith.cmpi ne, %convert_element_type3A_5, %cond3A_6 : i32
    scf.if %cond3A_7 {
      %get3A_13 = arith.constant 0 : index
      %get3A_14 = arith.constant 0 : index
      %get3A_15 = vector.load %arg5[%get3A_13, %get3A_14] : memref<512x128xf32, #tpu.memory_space<vmem>>, vector<512x128xf32>
      %get3A_16 = arith.constant 0 : index
      %get3A_17 = arith.constant 0 : index
      %get3A_18 = vector.load %arg6[%get3A_16, %get3A_17] : memref<512x128xf32, #tpu.memory_space<vmem>>, vector<512x128xf32>
      %get3A_19 = arith.constant 0 : index
      %get3A_20 = arith.constant 0 : index
      %get3A_21 = vector.load %arg2[%get3A_19, %get3A_20] : memref<512x1024xf32, #tpu.memory_space<vmem>>, vector<512x128xf32>
      %mul3A = arith.constant 5.000000e-01 : f32
      %mul3A_22 = vector.broadcast %mul3A : f32 to vector<512x128xf32>
      %mul3A_23 = arith.mulf %mul3A_22, %get3A_21 : vector<512x128xf32>
      %dot_general3A = arith.constant dense<0.000000e+00> : vector<512x128xf32>
      %dot_general3A_24 = tpu.matmul %mul3A_23, %get3A_1, %dot_general3A {dimension_numbers = #tpu.dot_dimension_numbers<[1], [0], [0], [1], [0, 0, 1, 1], [], []>, transpose_lhs_hint = false} : vector<512x128xf32>, vector<128x128xf32>, vector<512x128xf32> -> vector<512x128xf32>
      %add3A = arith.addf %get3A_15, %get3A_18 : vector<512x128xf32>
      %add3A_25 = arith.addf %add3A, %mul3A_23 : vector<512x128xf32>
      %slice3A = vector.extract_strided_slice %add3A {offsets = [0, 127], sizes = [512, 1], strides = [1, 1]} : vector<512x128xf32> to vector<512x1xf32>
      %slice3A_26 = vector.extract_strided_slice %add3A {offsets = [0, 0], sizes = [512, 127], strides = [1, 1]} : vector<512x128xf32> to vector<512x127xf32>
      %concatenate3A = tpu.concatenate %slice3A, %slice3A_26 in 1 : vector<512x1xf32>, vector<512x127xf32> -> vector<512x128xf32>
      %iota3A = tpu.iota {dimensions = array<i32: 1>} : vector<512x128xi32>
      %lt3A = arith.constant 1 : i32
      %lt3A_27 = vector.broadcast %lt3A : i32 to vector<512x128xi32>
      %lt3A_28 = arith.cmpi slt, %iota3A, %lt3A_27 : vector<512x128xi32>
      %jit3A = arith.constant -3.000000e+38 : f32
      %broadcast_in_dim3A = vector.broadcast %jit3A : f32 to vector<512x128xf32>
      %select_n3A = arith.select %lt3A_28, %broadcast_in_dim3A, %concatenate3A : vector<512x128xi1>, vector<512x128xf32>
      %add3A_29 = arith.addf %select_n3A, %mul3A_23 : vector<512x128xf32>
      %max3A = arith.maximumf %add3A_25, %add3A_29 : vector<512x128xf32>
      %sub3A = arith.subf %max3A, %dot_general3A_24 : vector<512x128xf32>
      %slice3A_30 = vector.extract_strided_slice %sub3A {offsets = [0, 127], sizes = [512, 1], strides = [1, 1]} : vector<512x128xf32> to vector<512x1xf32>
      %slice3A_31 = vector.extract_strided_slice %sub3A {offsets = [0, 0], sizes = [512, 127], strides = [1, 1]} : vector<512x128xf32> to vector<512x127xf32>
      %concatenate3A_32 = tpu.concatenate %slice3A_30, %slice3A_31 in 1 : vector<512x1xf32>, vector<512x127xf32> -> vector<512x128xf32>
      %iota3A_33 = tpu.iota {dimensions = array<i32: 1>} : vector<512x128xi32>
      %lt3A_34 = arith.constant 1 : i32
      %lt3A_35 = vector.broadcast %lt3A_34 : i32 to vector<512x128xi32>
      %lt3A_36 = arith.cmpi slt, %iota3A_33, %lt3A_35 : vector<512x128xi32>
      %jit3A_37 = arith.constant -3.000000e+38 : f32
      %broadcast_in_dim3A_38 = vector.broadcast %jit3A_37 : f32 to vector<512x128xf32>
      %select_n3A_39 = arith.select %lt3A_36, %broadcast_in_dim3A_38, %concatenate3A_32 : vector<512x128xi1>, vector<512x128xf32>
      %max3A_40 = arith.maximumf %sub3A, %select_n3A_39 : vector<512x128xf32>
      %slice3A_41 = vector.extract_strided_slice %max3A_40 {offsets = [0, 126], sizes = [512, 2], strides = [1, 1]} : vector<512x128xf32> to vector<512x2xf32>
      %slice3A_42 = vector.extract_strided_slice %max3A_40 {offsets = [0, 0], sizes = [512, 126], strides = [1, 1]} : vector<512x128xf32> to vector<512x126xf32>
      %concatenate3A_43 = tpu.concatenate %slice3A_41, %slice3A_42 in 1 : vector<512x2xf32>, vector<512x126xf32> -> vector<512x128xf32>
      %iota3A_44 = tpu.iota {dimensions = array<i32: 1>} : vector<512x128xi32>
      %lt3A_45 = arith.constant 2 : i32
      %lt3A_46 = vector.broadcast %lt3A_45 : i32 to vector<512x128xi32>
      %lt3A_47 = arith.cmpi slt, %iota3A_44, %lt3A_46 : vector<512x128xi32>
      %jit3A_48 = arith.constant -3.000000e+38 : f32
      %broadcast_in_dim3A_49 = vector.broadcast %jit3A_48 : f32 to vector<512x128xf32>
      %select_n3A_50 = arith.select %lt3A_47, %broadcast_in_dim3A_49, %concatenate3A_43 : vector<512x128xi1>, vector<512x128xf32>
      %max3A_51 = arith.maximumf %max3A_40, %select_n3A_50 : vector<512x128xf32>
      %slice3A_52 = vector.extract_strided_slice %max3A_51 {offsets = [0, 124], sizes = [512, 4], strides = [1, 1]} : vector<512x128xf32> to vector<512x4xf32>
      %slice3A_53 = vector.extract_strided_slice %max3A_51 {offsets = [0, 0], sizes = [512, 124], strides = [1, 1]} : vector<512x128xf32> to vector<512x124xf32>
      %concatenate3A_54 = tpu.concatenate %slice3A_52, %slice3A_53 in 1 : vector<512x4xf32>, vector<512x124xf32> -> vector<512x128xf32>
      %iota3A_55 = tpu.iota {dimensions = array<i32: 1>} : vector<512x128xi32>
      %lt3A_56 = arith.constant 4 : i32
      %lt3A_57 = vector.broadcast %lt3A_56 : i32 to vector<512x128xi32>
      %lt3A_58 = arith.cmpi slt, %iota3A_55, %lt3A_57 : vector<512x128xi32>
      %jit3A_59 = arith.constant -3.000000e+38 : f32
      %broadcast_in_dim3A_60 = vector.broadcast %jit3A_59 : f32 to vector<512x128xf32>
      %select_n3A_61 = arith.select %lt3A_58, %broadcast_in_dim3A_60, %concatenate3A_54 : vector<512x128xi1>, vector<512x128xf32>
      %max3A_62 = arith.maximumf %max3A_51, %select_n3A_61 : vector<512x128xf32>
      %slice3A_63 = vector.extract_strided_slice %max3A_62 {offsets = [0, 120], sizes = [512, 8], strides = [1, 1]} : vector<512x128xf32> to vector<512x8xf32>
      %slice3A_64 = vector.extract_strided_slice %max3A_62 {offsets = [0, 0], sizes = [512, 120], strides = [1, 1]} : vector<512x128xf32> to vector<512x120xf32>
      %concatenate3A_65 = tpu.concatenate %slice3A_63, %slice3A_64 in 1 : vector<512x8xf32>, vector<512x120xf32> -> vector<512x128xf32>
      %iota3A_66 = tpu.iota {dimensions = array<i32: 1>} : vector<512x128xi32>
      %lt3A_67 = arith.constant 8 : i32
      %lt3A_68 = vector.broadcast %lt3A_67 : i32 to vector<512x128xi32>
      %lt3A_69 = arith.cmpi slt, %iota3A_66, %lt3A_68 : vector<512x128xi32>
      %jit3A_70 = arith.constant -3.000000e+38 : f32
      %broadcast_in_dim3A_71 = vector.broadcast %jit3A_70 : f32 to vector<512x128xf32>
      %select_n3A_72 = arith.select %lt3A_69, %broadcast_in_dim3A_71, %concatenate3A_65 : vector<512x128xi1>, vector<512x128xf32>
      %max3A_73 = arith.maximumf %max3A_62, %select_n3A_72 : vector<512x128xf32>
      %slice3A_74 = vector.extract_strided_slice %max3A_73 {offsets = [0, 112], sizes = [512, 16], strides = [1, 1]} : vector<512x128xf32> to vector<512x16xf32>
      %slice3A_75 = vector.extract_strided_slice %max3A_73 {offsets = [0, 0], sizes = [512, 112], strides = [1, 1]} : vector<512x128xf32> to vector<512x112xf32>
      %concatenate3A_76 = tpu.concatenate %slice3A_74, %slice3A_75 in 1 : vector<512x16xf32>, vector<512x112xf32> -> vector<512x128xf32>
      %iota3A_77 = tpu.iota {dimensions = array<i32: 1>} : vector<512x128xi32>
      %lt3A_78 = arith.constant 16 : i32
      %lt3A_79 = vector.broadcast %lt3A_78 : i32 to vector<512x128xi32>
      %lt3A_80 = arith.cmpi slt, %iota3A_77, %lt3A_79 : vector<512x128xi32>
      %jit3A_81 = arith.constant -3.000000e+38 : f32
      %broadcast_in_dim3A_82 = vector.broadcast %jit3A_81 : f32 to vector<512x128xf32>
      %select_n3A_83 = arith.select %lt3A_80, %broadcast_in_dim3A_82, %concatenate3A_76 : vector<512x128xi1>, vector<512x128xf32>
      %max3A_84 = arith.maximumf %max3A_73, %select_n3A_83 : vector<512x128xf32>
      %slice3A_85 = vector.extract_strided_slice %max3A_84 {offsets = [0, 96], sizes = [512, 32], strides = [1, 1]} : vector<512x128xf32> to vector<512x32xf32>
      %slice3A_86 = vector.extract_strided_slice %max3A_84 {offsets = [0, 0], sizes = [512, 96], strides = [1, 1]} : vector<512x128xf32> to vector<512x96xf32>
      %concatenate3A_87 = tpu.concatenate %slice3A_85, %slice3A_86 in 1 : vector<512x32xf32>, vector<512x96xf32> -> vector<512x128xf32>
      %iota3A_88 = tpu.iota {dimensions = array<i32: 1>} : vector<512x128xi32>
      %lt3A_89 = arith.constant 32 : i32
      %lt3A_90 = vector.broadcast %lt3A_89 : i32 to vector<512x128xi32>
      %lt3A_91 = arith.cmpi slt, %iota3A_88, %lt3A_90 : vector<512x128xi32>
      %jit3A_92 = arith.constant -3.000000e+38 : f32
      %broadcast_in_dim3A_93 = vector.broadcast %jit3A_92 : f32 to vector<512x128xf32>
      %select_n3A_94 = arith.select %lt3A_91, %broadcast_in_dim3A_93, %concatenate3A_87 : vector<512x128xi1>, vector<512x128xf32>
      %max3A_95 = arith.maximumf %max3A_84, %select_n3A_94 : vector<512x128xf32>
      %slice3A_96 = vector.extract_strided_slice %max3A_95 {offsets = [0, 64], sizes = [512, 64], strides = [1, 1]} : vector<512x128xf32> to vector<512x64xf32>
      %slice3A_97 = vector.extract_strided_slice %max3A_95 {offsets = [0, 0], sizes = [512, 64], strides = [1, 1]} : vector<512x128xf32> to vector<512x64xf32>
      %concatenate3A_98 = tpu.concatenate %slice3A_96, %slice3A_97 in 1 : vector<512x64xf32>, vector<512x64xf32> -> vector<512x128xf32>
      %iota3A_99 = tpu.iota {dimensions = array<i32: 1>} : vector<512x128xi32>
      %lt3A_100 = arith.constant 64 : i32
      %lt3A_101 = vector.broadcast %lt3A_100 : i32 to vector<512x128xi32>
      %lt3A_102 = arith.cmpi slt, %iota3A_99, %lt3A_101 : vector<512x128xi32>
      %jit3A_103 = arith.constant -3.000000e+38 : f32
      %broadcast_in_dim3A_104 = vector.broadcast %jit3A_103 : f32 to vector<512x128xf32>
      %select_n3A_105 = arith.select %lt3A_102, %broadcast_in_dim3A_104, %concatenate3A_98 : vector<512x128xi1>, vector<512x128xf32>
      %max3A_106 = arith.maximumf %max3A_95, %select_n3A_105 : vector<512x128xf32>
      %add3A_107 = arith.addf %dot_general3A_24, %max3A_106 : vector<512x128xf32>
      %get3A_108 = arith.constant 0 : index
      %get3A_109 = arith.constant 128 : index
      %get3A_110 = vector.load %arg2[%get3A_108, %get3A_109] : memref<512x1024xf32, #tpu.memory_space<vmem>>, vector<512x128xf32>
      %mul3A_111 = arith.constant 5.000000e-01 : f32
      %mul3A_112 = vector.broadcast %mul3A_111 : f32 to vector<512x128xf32>
      %mul3A_113 = arith.mulf %mul3A_112, %get3A_110 : vector<512x128xf32>
      %dot_general3A_114 = arith.constant dense<0.000000e+00> : vector<512x128xf32>
      %dot_general3A_115 = tpu.matmul %mul3A_113, %get3A_1, %dot_general3A_114 {dimension_numbers = #tpu.dot_dimension_numbers<[1], [0], [0], [1], [0, 0, 1, 1], [], []>, transpose_lhs_hint = false} : vector<512x128xf32>, vector<128x128xf32>, vector<512x128xf32> -> vector<512x128xf32>
      %add3A_116 = arith.addf %add3A_107, %mul3A_23 : vector<512x128xf32>
      %add3A_117 = arith.addf %add3A_116, %mul3A_113 : vector<512x128xf32>
      %slice3A_118 = vector.extract_strided_slice %add3A_116 {offsets = [0, 127], sizes = [512, 1], strides = [1, 1]} : vector<512x128xf32> to vector<512x1xf32>
      %slice3A_119 = vector.extract_strided_slice %add3A_116 {offsets = [0, 0], sizes = [512, 127], strides = [1, 1]} : vector<512x128xf32> to vector<512x127xf32>
      %concatenate3A_120 = tpu.concatenate %slice3A_118, %slice3A_119 in 1 : vector<512x1xf32>, vector<512x127xf32> -> vector<512x128xf32>
      %iota3A_121 = tpu.iota {dimensions = array<i32: 1>} : vector<512x128xi32>
      %lt3A_122 = arith.constant 1 : i32
      %lt3A_123 = vector.broadcast %lt3A_122 : i32 to vector<512x128xi32>
      %lt3A_124 = arith.cmpi slt, %iota3A_121, %lt3A_123 : vector<512x128xi32>
      %jit3A_125 = arith.constant -3.000000e+38 : f32
      %broadcast_in_dim3A_126 = vector.broadcast %jit3A_125 : f32 to vector<512x128xf32>
      %select_n3A_127 = arith.select %lt3A_124, %broadcast_in_dim3A_126, %concatenate3A_120 : vector<512x128xi1>, vector<512x128xf32>
      %add3A_128 = arith.addf %select_n3A_127, %mul3A_113 : vector<512x128xf32>
      %max3A_129 = arith.maximumf %add3A_117, %add3A_128 : vector<512x128xf32>
      %sub3A_130 = arith.subf %max3A_129, %dot_general3A_115 : vector<512x128xf32>
      %slice3A_131 = vector.extract_strided_slice %sub3A_130 {offsets = [0, 127], sizes = [512, 1], strides = [1, 1]} : vector<512x128xf32> to vector<512x1xf32>
      %slice3A_132 = vector.extract_strided_slice %sub3A_130 {offsets = [0, 0], sizes = [512, 127], strides = [1, 1]} : vector<512x128xf32> to vector<512x127xf32>
      %concatenate3A_133 = tpu.concatenate %slice3A_131, %slice3A_132 in 1 : vector<512x1xf32>, vector<512x127xf32> -> vector<512x128xf32>
      %iota3A_134 = tpu.iota {dimensions = array<i32: 1>} : vector<512x128xi32>
      %lt3A_135 = arith.constant 1 : i32
      %lt3A_136 = vector.broadcast %lt3A_135 : i32 to vector<512x128xi32>
      %lt3A_137 = arith.cmpi slt, %iota3A_134, %lt3A_136 : vector<512x128xi32>
      %jit3A_138 = arith.constant -3.000000e+38 : f32
      %broadcast_in_dim3A_139 = vector.broadcast %jit3A_138 : f32 to vector<512x128xf32>
      %select_n3A_140 = arith.select %lt3A_137, %broadcast_in_dim3A_139, %concatenate3A_133 : vector<512x128xi1>, vector<512x128xf32>
      %max3A_141 = arith.maximumf %sub3A_130, %select_n3A_140 : vector<512x128xf32>
      %slice3A_142 = vector.extract_strided_slice %max3A_141 {offsets = [0, 126], sizes = [512, 2], strides = [1, 1]} : vector<512x128xf32> to vector<512x2xf32>
      %slice3A_143 = vector.extract_strided_slice %max3A_141 {offsets = [0, 0], sizes = [512, 126], strides = [1, 1]} : vector<512x128xf32> to vector<512x126xf32>
      %concatenate3A_144 = tpu.concatenate %slice3A_142, %slice3A_143 in 1 : vector<512x2xf32>, vector<512x126xf32> -> vector<512x128xf32>
      %iota3A_145 = tpu.iota {dimensions = array<i32: 1>} : vector<512x128xi32>
      %lt3A_146 = arith.constant 2 : i32
      %lt3A_147 = vector.broadcast %lt3A_146 : i32 to vector<512x128xi32>
      %lt3A_148 = arith.cmpi slt, %iota3A_145, %lt3A_147 : vector<512x128xi32>
      %jit3A_149 = arith.constant -3.000000e+38 : f32
      %broadcast_in_dim3A_150 = vector.broadcast %jit3A_149 : f32 to vector<512x128xf32>
      %select_n3A_151 = arith.select %lt3A_148, %broadcast_in_dim3A_150, %concatenate3A_144 : vector<512x128xi1>, vector<512x128xf32>
      %max3A_152 = arith.maximumf %max3A_141, %select_n3A_151 : vector<512x128xf32>
      %slice3A_153 = vector.extract_strided_slice %max3A_152 {offsets = [0, 124], sizes = [512, 4], strides = [1, 1]} : vector<512x128xf32> to vector<512x4xf32>
      %slice3A_154 = vector.extract_strided_slice %max3A_152 {offsets = [0, 0], sizes = [512, 124], strides = [1, 1]} : vector<512x128xf32> to vector<512x124xf32>
      %concatenate3A_155 = tpu.concatenate %slice3A_153, %slice3A_154 in 1 : vector<512x4xf32>, vector<512x124xf32> -> vector<512x128xf32>
      %iota3A_156 = tpu.iota {dimensions = array<i32: 1>} : vector<512x128xi32>
      %lt3A_157 = arith.constant 4 : i32
      %lt3A_158 = vector.broadcast %lt3A_157 : i32 to vector<512x128xi32>
      %lt3A_159 = arith.cmpi slt, %iota3A_156, %lt3A_158 : vector<512x128xi32>
      %jit3A_160 = arith.constant -3.000000e+38 : f32
      %broadcast_in_dim3A_161 = vector.broadcast %jit3A_160 : f32 to vector<512x128xf32>
      %select_n3A_162 = arith.select %lt3A_159, %broadcast_in_dim3A_161, %concatenate3A_155 : vector<512x128xi1>, vector<512x128xf32>
      %max3A_163 = arith.maximumf %max3A_152, %select_n3A_162 : vector<512x128xf32>
      %slice3A_164 = vector.extract_strided_slice %max3A_163 {offsets = [0, 120], sizes = [512, 8], strides = [1, 1]} : vector<512x128xf32> to vector<512x8xf32>
      %slice3A_165 = vector.extract_strided_slice %max3A_163 {offsets = [0, 0], sizes = [512, 120], strides = [1, 1]} : vector<512x128xf32> to vector<512x120xf32>
      %concatenate3A_166 = tpu.concatenate %slice3A_164, %slice3A_165 in 1 : vector<512x8xf32>, vector<512x120xf32> -> vector<512x128xf32>
      %iota3A_167 = tpu.iota {dimensions = array<i32: 1>} : vector<512x128xi32>
      %lt3A_168 = arith.constant 8 : i32
      %lt3A_169 = vector.broadcast %lt3A_168 : i32 to vector<512x128xi32>
      %lt3A_170 = arith.cmpi slt, %iota3A_167, %lt3A_169 : vector<512x128xi32>
      %jit3A_171 = arith.constant -3.000000e+38 : f32
      %broadcast_in_dim3A_172 = vector.broadcast %jit3A_171 : f32 to vector<512x128xf32>
      %select_n3A_173 = arith.select %lt3A_170, %broadcast_in_dim3A_172, %concatenate3A_166 : vector<512x128xi1>, vector<512x128xf32>
      %max3A_174 = arith.maximumf %max3A_163, %select_n3A_173 : vector<512x128xf32>
      %slice3A_175 = vector.extract_strided_slice %max3A_174 {offsets = [0, 112], sizes = [512, 16], strides = [1, 1]} : vector<512x128xf32> to vector<512x16xf32>
      %slice3A_176 = vector.extract_strided_slice %max3A_174 {offsets = [0, 0], sizes = [512, 112], strides = [1, 1]} : vector<512x128xf32> to vector<512x112xf32>
      %concatenate3A_177 = tpu.concatenate %slice3A_175, %slice3A_176 in 1 : vector<512x16xf32>, vector<512x112xf32> -> vector<512x128xf32>
      %iota3A_178 = tpu.iota {dimensions = array<i32: 1>} : vector<512x128xi32>
      %lt3A_179 = arith.constant 16 : i32
      %lt3A_180 = vector.broadcast %lt3A_179 : i32 to vector<512x128xi32>
      %lt3A_181 = arith.cmpi slt, %iota3A_178, %lt3A_180 : vector<512x128xi32>
      %jit3A_182 = arith.constant -3.000000e+38 : f32
      %broadcast_in_dim3A_183 = vector.broadcast %jit3A_182 : f32 to vector<512x128xf32>
      %select_n3A_184 = arith.select %lt3A_181, %broadcast_in_dim3A_183, %concatenate3A_177 : vector<512x128xi1>, vector<512x128xf32>
      %max3A_185 = arith.maximumf %max3A_174, %select_n3A_184 : vector<512x128xf32>
      %slice3A_186 = vector.extract_strided_slice %max3A_185 {offsets = [0, 96], sizes = [512, 32], strides = [1, 1]} : vector<512x128xf32> to vector<512x32xf32>
      %slice3A_187 = vector.extract_strided_slice %max3A_185 {offsets = [0, 0], sizes = [512, 96], strides = [1, 1]} : vector<512x128xf32> to vector<512x96xf32>
      %concatenate3A_188 = tpu.concatenate %slice3A_186, %slice3A_187 in 1 : vector<512x32xf32>, vector<512x96xf32> -> vector<512x128xf32>
      %iota3A_189 = tpu.iota {dimensions = array<i32: 1>} : vector<512x128xi32>
      %lt3A_190 = arith.constant 32 : i32
      %lt3A_191 = vector.broadcast %lt3A_190 : i32 to vector<512x128xi32>
      %lt3A_192 = arith.cmpi slt, %iota3A_189, %lt3A_191 : vector<512x128xi32>
      %jit3A_193 = arith.constant -3.000000e+38 : f32
      %broadcast_in_dim3A_194 = vector.broadcast %jit3A_193 : f32 to vector<512x128xf32>
      %select_n3A_195 = arith.select %lt3A_192, %broadcast_in_dim3A_194, %concatenate3A_188 : vector<512x128xi1>, vector<512x128xf32>
      %max3A_196 = arith.maximumf %max3A_185, %select_n3A_195 : vector<512x128xf32>
      %slice3A_197 = vector.extract_strided_slice %max3A_196 {offsets = [0, 64], sizes = [512, 64], strides = [1, 1]} : vector<512x128xf32> to vector<512x64xf32>
      %slice3A_198 = vector.extract_strided_slice %max3A_196 {offsets = [0, 0], sizes = [512, 64], strides = [1, 1]} : vector<512x128xf32> to vector<512x64xf32>
      %concatenate3A_199 = tpu.concatenate %slice3A_197, %slice3A_198 in 1 : vector<512x64xf32>, vector<512x64xf32> -> vector<512x128xf32>
      %iota3A_200 = tpu.iota {dimensions = array<i32: 1>} : vector<512x128xi32>
      %lt3A_201 = arith.constant 64 : i32
      %lt3A_202 = vector.broadcast %lt3A_201 : i32 to vector<512x128xi32>
      %lt3A_203 = arith.cmpi slt, %iota3A_200, %lt3A_202 : vector<512x128xi32>
      %jit3A_204 = arith.constant -3.000000e+38 : f32
      %broadcast_in_dim3A_205 = vector.broadcast %jit3A_204 : f32 to vector<512x128xf32>
      %select_n3A_206 = arith.select %lt3A_203, %broadcast_in_dim3A_205, %concatenate3A_199 : vector<512x128xi1>, vector<512x128xf32>
      %max3A_207 = arith.maximumf %max3A_196, %select_n3A_206 : vector<512x128xf32>
      %add3A_208 = arith.addf %dot_general3A_115, %max3A_207 : vector<512x128xf32>
      %get3A_209 = arith.constant 0 : index
      %get3A_210 = arith.constant 256 : index
      %get3A_211 = vector.load %arg2[%get3A_209, %get3A_210] : memref<512x1024xf32, #tpu.memory_space<vmem>>, vector<512x128xf32>
      %mul3A_212 = arith.constant 5.000000e-01 : f32
      %mul3A_213 = vector.broadcast %mul3A_212 : f32 to vector<512x128xf32>
      %mul3A_214 = arith.mulf %mul3A_213, %get3A_211 : vector<512x128xf32>
      %dot_general3A_215 = arith.constant dense<0.000000e+00> : vector<512x128xf32>
      %dot_general3A_216 = tpu.matmul %mul3A_214, %get3A_1, %dot_general3A_215 {dimension_numbers = #tpu.dot_dimension_numbers<[1], [0], [0], [1], [0, 0, 1, 1], [], []>, transpose_lhs_hint = false} : vector<512x128xf32>, vector<128x128xf32>, vector<512x128xf32> -> vector<512x128xf32>
      %add3A_217 = arith.addf %add3A_208, %mul3A_113 : vector<512x128xf32>
      %add3A_218 = arith.addf %add3A_217, %mul3A_214 : vector<512x128xf32>
      %slice3A_219 = vector.extract_strided_slice %add3A_217 {offsets = [0, 127], sizes = [512, 1], strides = [1, 1]} : vector<512x128xf32> to vector<512x1xf32>
      %slice3A_220 = vector.extract_strided_slice %add3A_217 {offsets = [0, 0], sizes = [512, 127], strides = [1, 1]} : vector<512x128xf32> to vector<512x127xf32>
      %concatenate3A_221 = tpu.concatenate %slice3A_219, %slice3A_220 in 1 : vector<512x1xf32>, vector<512x127xf32> -> vector<512x128xf32>
      %iota3A_222 = tpu.iota {dimensions = array<i32: 1>} : vector<512x128xi32>
      %lt3A_223 = arith.constant 1 : i32
      %lt3A_224 = vector.broadcast %lt3A_223 : i32 to vector<512x128xi32>
      %lt3A_225 = arith.cmpi slt, %iota3A_222, %lt3A_224 : vector<512x128xi32>
      %jit3A_226 = arith.constant -3.000000e+38 : f32
      %broadcast_in_dim3A_227 = vector.broadcast %jit3A_226 : f32 to vector<512x128xf32>
      %select_n3A_228 = arith.select %lt3A_225, %broadcast_in_dim3A_227, %concatenate3A_221 : vector<512x128xi1>, vector<512x128xf32>
      %add3A_229 = arith.addf %select_n3A_228, %mul3A_214 : vector<512x128xf32>
      %max3A_230 = arith.maximumf %add3A_218, %add3A_229 : vector<512x128xf32>
      %sub3A_231 = arith.subf %max3A_230, %dot_general3A_216 : vector<512x128xf32>
      %slice3A_232 = vector.extract_strided_slice %sub3A_231 {offsets = [0, 127], sizes = [512, 1], strides = [1, 1]} : vector<512x128xf32> to vector<512x1xf32>
      %slice3A_233 = vector.extract_strided_slice %sub3A_231 {offsets = [0, 0], sizes = [512, 127], strides = [1, 1]} : vector<512x128xf32> to vector<512x127xf32>
      %concatenate3A_234 = tpu.concatenate %slice3A_232, %slice3A_233 in 1 : vector<512x1xf32>, vector<512x127xf32> -> vector<512x128xf32>
      %iota3A_235 = tpu.iota {dimensions = array<i32: 1>} : vector<512x128xi32>
      %lt3A_236 = arith.constant 1 : i32
      %lt3A_237 = vector.broadcast %lt3A_236 : i32 to vector<512x128xi32>
      %lt3A_238 = arith.cmpi slt, %iota3A_235, %lt3A_237 : vector<512x128xi32>
      %jit3A_239 = arith.constant -3.000000e+38 : f32
      %broadcast_in_dim3A_240 = vector.broadcast %jit3A_239 : f32 to vector<512x128xf32>
      %select_n3A_241 = arith.select %lt3A_238, %broadcast_in_dim3A_240, %concatenate3A_234 : vector<512x128xi1>, vector<512x128xf32>
      %max3A_242 = arith.maximumf %sub3A_231, %select_n3A_241 : vector<512x128xf32>
      %slice3A_243 = vector.extract_strided_slice %max3A_242 {offsets = [0, 126], sizes = [512, 2], strides = [1, 1]} : vector<512x128xf32> to vector<512x2xf32>
      %slice3A_244 = vector.extract_strided_slice %max3A_242 {offsets = [0, 0], sizes = [512, 126], strides = [1, 1]} : vector<512x128xf32> to vector<512x126xf32>
      %concatenate3A_245 = tpu.concatenate %slice3A_243, %slice3A_244 in 1 : vector<512x2xf32>, vector<512x126xf32> -> vector<512x128xf32>
      %iota3A_246 = tpu.iota {dimensions = array<i32: 1>} : vector<512x128xi32>
      %lt3A_247 = arith.constant 2 : i32
      %lt3A_248 = vector.broadcast %lt3A_247 : i32 to vector<512x128xi32>
      %lt3A_249 = arith.cmpi slt, %iota3A_246, %lt3A_248 : vector<512x128xi32>
      %jit3A_250 = arith.constant -3.000000e+38 : f32
      %broadcast_in_dim3A_251 = vector.broadcast %jit3A_250 : f32 to vector<512x128xf32>
      %select_n3A_252 = arith.select %lt3A_249, %broadcast_in_dim3A_251, %concatenate3A_245 : vector<512x128xi1>, vector<512x128xf32>
      %max3A_253 = arith.maximumf %max3A_242, %select_n3A_252 : vector<512x128xf32>
      %slice3A_254 = vector.extract_strided_slice %max3A_253 {offsets = [0, 124], sizes = [512, 4], strides = [1, 1]} : vector<512x128xf32> to vector<512x4xf32>
      %slice3A_255 = vector.extract_strided_slice %max3A_253 {offsets = [0, 0], sizes = [512, 124], strides = [1, 1]} : vector<512x128xf32> to vector<512x124xf32>
      %concatenate3A_256 = tpu.concatenate %slice3A_254, %slice3A_255 in 1 : vector<512x4xf32>, vector<512x124xf32> -> vector<512x128xf32>
      %iota3A_257 = tpu.iota {dimensions = array<i32: 1>} : vector<512x128xi32>
      %lt3A_258 = arith.constant 4 : i32
      %lt3A_259 = vector.broadcast %lt3A_258 : i32 to vector<512x128xi32>
      %lt3A_260 = arith.cmpi slt, %iota3A_257, %lt3A_259 : vector<512x128xi32>
      %jit3A_261 = arith.constant -3.000000e+38 : f32
      %broadcast_in_dim3A_262 = vector.broadcast %jit3A_261 : f32 to vector<512x128xf32>
      %select_n3A_263 = arith.select %lt3A_260, %broadcast_in_dim3A_262, %concatenate3A_256 : vector<512x128xi1>, vector<512x128xf32>
      %max3A_264 = arith.maximumf %max3A_253, %select_n3A_263 : vector<512x128xf32>
      %slice3A_265 = vector.extract_strided_slice %max3A_264 {offsets = [0, 120], sizes = [512, 8], strides = [1, 1]} : vector<512x128xf32> to vector<512x8xf32>
      %slice3A_266 = vector.extract_strided_slice %max3A_264 {offsets = [0, 0], sizes = [512, 120], strides = [1, 1]} : vector<512x128xf32> to vector<512x120xf32>
      %concatenate3A_267 = tpu.concatenate %slice3A_265, %slice3A_266 in 1 : vector<512x8xf32>, vector<512x120xf32> -> vector<512x128xf32>
      %iota3A_268 = tpu.iota {dimensions = array<i32: 1>} : vector<512x128xi32>
      %lt3A_269 = arith.constant 8 : i32
      %lt3A_270 = vector.broadcast %lt3A_269 : i32 to vector<512x128xi32>
      %lt3A_271 = arith.cmpi slt, %iota3A_268, %lt3A_270 : vector<512x128xi32>
      %jit3A_272 = arith.constant -3.000000e+38 : f32
      %broadcast_in_dim3A_273 = vector.broadcast %jit3A_272 : f32 to vector<512x128xf32>
      %select_n3A_274 = arith.select %lt3A_271, %broadcast_in_dim3A_273, %concatenate3A_267 : vector<512x128xi1>, vector<512x128xf32>
      %max3A_275 = arith.maximumf %max3A_264, %select_n3A_274 : vector<512x128xf32>
      %slice3A_276 = vector.extract_strided_slice %max3A_275 {offsets = [0, 112], sizes = [512, 16], strides = [1, 1]} : vector<512x128xf32> to vector<512x16xf32>
      %slice3A_277 = vector.extract_strided_slice %max3A_275 {offsets = [0, 0], sizes = [512, 112], strides = [1, 1]} : vector<512x128xf32> to vector<512x112xf32>
      %concatenate3A_278 = tpu.concatenate %slice3A_276, %slice3A_277 in 1 : vector<512x16xf32>, vector<512x112xf32> -> vector<512x128xf32>
      %iota3A_279 = tpu.iota {dimensions = array<i32: 1>} : vector<512x128xi32>
      %lt3A_280 = arith.constant 16 : i32
      %lt3A_281 = vector.broadcast %lt3A_280 : i32 to vector<512x128xi32>
      %lt3A_282 = arith.cmpi slt, %iota3A_279, %lt3A_281 : vector<512x128xi32>
      %jit3A_283 = arith.constant -3.000000e+38 : f32
      %broadcast_in_dim3A_284 = vector.broadcast %jit3A_283 : f32 to vector<512x128xf32>
      %select_n3A_285 = arith.select %lt3A_282, %broadcast_in_dim3A_284, %concatenate3A_278 : vector<512x128xi1>, vector<512x128xf32>
      %max3A_286 = arith.maximumf %max3A_275, %select_n3A_285 : vector<512x128xf32>
      %slice3A_287 = vector.extract_strided_slice %max3A_286 {offsets = [0, 96], sizes = [512, 32], strides = [1, 1]} : vector<512x128xf32> to vector<512x32xf32>
      %slice3A_288 = vector.extract_strided_slice %max3A_286 {offsets = [0, 0], sizes = [512, 96], strides = [1, 1]} : vector<512x128xf32> to vector<512x96xf32>
      %concatenate3A_289 = tpu.concatenate %slice3A_287, %slice3A_288 in 1 : vector<512x32xf32>, vector<512x96xf32> -> vector<512x128xf32>
      %iota3A_290 = tpu.iota {dimensions = array<i32: 1>} : vector<512x128xi32>
      %lt3A_291 = arith.constant 32 : i32
      %lt3A_292 = vector.broadcast %lt3A_291 : i32 to vector<512x128xi32>
      %lt3A_293 = arith.cmpi slt, %iota3A_290, %lt3A_292 : vector<512x128xi32>
      %jit3A_294 = arith.constant -3.000000e+38 : f32
      %broadcast_in_dim3A_295 = vector.broadcast %jit3A_294 : f32 to vector<512x128xf32>
      %select_n3A_296 = arith.select %lt3A_293, %broadcast_in_dim3A_295, %concatenate3A_289 : vector<512x128xi1>, vector<512x128xf32>
      %max3A_297 = arith.maximumf %max3A_286, %select_n3A_296 : vector<512x128xf32>
      %slice3A_298 = vector.extract_strided_slice %max3A_297 {offsets = [0, 64], sizes = [512, 64], strides = [1, 1]} : vector<512x128xf32> to vector<512x64xf32>
      %slice3A_299 = vector.extract_strided_slice %max3A_297 {offsets = [0, 0], sizes = [512, 64], strides = [1, 1]} : vector<512x128xf32> to vector<512x64xf32>
      %concatenate3A_300 = tpu.concatenate %slice3A_298, %slice3A_299 in 1 : vector<512x64xf32>, vector<512x64xf32> -> vector<512x128xf32>
      %iota3A_301 = tpu.iota {dimensions = array<i32: 1>} : vector<512x128xi32>
      %lt3A_302 = arith.constant 64 : i32
      %lt3A_303 = vector.broadcast %lt3A_302 : i32 to vector<512x128xi32>
      %lt3A_304 = arith.cmpi slt, %iota3A_301, %lt3A_303 : vector<512x128xi32>
      %jit3A_305 = arith.constant -3.000000e+38 : f32
      %broadcast_in_dim3A_306 = vector.broadcast %jit3A_305 : f32 to vector<512x128xf32>
      %select_n3A_307 = arith.select %lt3A_304, %broadcast_in_dim3A_306, %concatenate3A_300 : vector<512x128xi1>, vector<512x128xf32>
      %max3A_308 = arith.maximumf %max3A_297, %select_n3A_307 : vector<512x128xf32>
      %add3A_309 = arith.addf %dot_general3A_216, %max3A_308 : vector<512x128xf32>
      %get3A_310 = arith.constant 0 : index
      %get3A_311 = arith.constant 384 : index
      %get3A_312 = vector.load %arg2[%get3A_310, %get3A_311] : memref<512x1024xf32, #tpu.memory_space<vmem>>, vector<512x128xf32>
      %mul3A_313 = arith.constant 5.000000e-01 : f32
      %mul3A_314 = vector.broadcast %mul3A_313 : f32 to vector<512x128xf32>
      %mul3A_315 = arith.mulf %mul3A_314, %get3A_312 : vector<512x128xf32>
      %dot_general3A_316 = arith.constant dense<0.000000e+00> : vector<512x128xf32>
      %dot_general3A_317 = tpu.matmul %mul3A_315, %get3A_1, %dot_general3A_316 {dimension_numbers = #tpu.dot_dimension_numbers<[1], [0], [0], [1], [0, 0, 1, 1], [], []>, transpose_lhs_hint = false} : vector<512x128xf32>, vector<128x128xf32>, vector<512x128xf32> -> vector<512x128xf32>
      %add3A_318 = arith.addf %add3A_309, %mul3A_214 : vector<512x128xf32>
      %add3A_319 = arith.addf %add3A_318, %mul3A_315 : vector<512x128xf32>
      %slice3A_320 = vector.extract_strided_slice %add3A_318 {offsets = [0, 127], sizes = [512, 1], strides = [1, 1]} : vector<512x128xf32> to vector<512x1xf32>
      %slice3A_321 = vector.extract_strided_slice %add3A_318 {offsets = [0, 0], sizes = [512, 127], strides = [1, 1]} : vector<512x128xf32> to vector<512x127xf32>
      %concatenate3A_322 = tpu.concatenate %slice3A_320, %slice3A_321 in 1 : vector<512x1xf32>, vector<512x127xf32> -> vector<512x128xf32>
      %iota3A_323 = tpu.iota {dimensions = array<i32: 1>} : vector<512x128xi32>
      %lt3A_324 = arith.constant 1 : i32
      %lt3A_325 = vector.broadcast %lt3A_324 : i32 to vector<512x128xi32>
      %lt3A_326 = arith.cmpi slt, %iota3A_323, %lt3A_325 : vector<512x128xi32>
      %jit3A_327 = arith.constant -3.000000e+38 : f32
      %broadcast_in_dim3A_328 = vector.broadcast %jit3A_327 : f32 to vector<512x128xf32>
      %select_n3A_329 = arith.select %lt3A_326, %broadcast_in_dim3A_328, %concatenate3A_322 : vector<512x128xi1>, vector<512x128xf32>
      %add3A_330 = arith.addf %select_n3A_329, %mul3A_315 : vector<512x128xf32>
      %max3A_331 = arith.maximumf %add3A_319, %add3A_330 : vector<512x128xf32>
      %sub3A_332 = arith.subf %max3A_331, %dot_general3A_317 : vector<512x128xf32>
      %slice3A_333 = vector.extract_strided_slice %sub3A_332 {offsets = [0, 127], sizes = [512, 1], strides = [1, 1]} : vector<512x128xf32> to vector<512x1xf32>
      %slice3A_334 = vector.extract_strided_slice %sub3A_332 {offsets = [0, 0], sizes = [512, 127], strides = [1, 1]} : vector<512x128xf32> to vector<512x127xf32>
      %concatenate3A_335 = tpu.concatenate %slice3A_333, %slice3A_334 in 1 : vector<512x1xf32>, vector<512x127xf32> -> vector<512x128xf32>
      %iota3A_336 = tpu.iota {dimensions = array<i32: 1>} : vector<512x128xi32>
      %lt3A_337 = arith.constant 1 : i32
      %lt3A_338 = vector.broadcast %lt3A_337 : i32 to vector<512x128xi32>
      %lt3A_339 = arith.cmpi slt, %iota3A_336, %lt3A_338 : vector<512x128xi32>
      %jit3A_340 = arith.constant -3.000000e+38 : f32
      %broadcast_in_dim3A_341 = vector.broadcast %jit3A_340 : f32 to vector<512x128xf32>
      %select_n3A_342 = arith.select %lt3A_339, %broadcast_in_dim3A_341, %concatenate3A_335 : vector<512x128xi1>, vector<512x128xf32>
      %max3A_343 = arith.maximumf %sub3A_332, %select_n3A_342 : vector<512x128xf32>
      %slice3A_344 = vector.extract_strided_slice %max3A_343 {offsets = [0, 126], sizes = [512, 2], strides = [1, 1]} : vector<512x128xf32> to vector<512x2xf32>
      %slice3A_345 = vector.extract_strided_slice %max3A_343 {offsets = [0, 0], sizes = [512, 126], strides = [1, 1]} : vector<512x128xf32> to vector<512x126xf32>
      %concatenate3A_346 = tpu.concatenate %slice3A_344, %slice3A_345 in 1 : vector<512x2xf32>, vector<512x126xf32> -> vector<512x128xf32>
      %iota3A_347 = tpu.iota {dimensions = array<i32: 1>} : vector<512x128xi32>
      %lt3A_348 = arith.constant 2 : i32
      %lt3A_349 = vector.broadcast %lt3A_348 : i32 to vector<512x128xi32>
      %lt3A_350 = arith.cmpi slt, %iota3A_347, %lt3A_349 : vector<512x128xi32>
      %jit3A_351 = arith.constant -3.000000e+38 : f32
      %broadcast_in_dim3A_352 = vector.broadcast %jit3A_351 : f32 to vector<512x128xf32>
      %select_n3A_353 = arith.select %lt3A_350, %broadcast_in_dim3A_352, %concatenate3A_346 : vector<512x128xi1>, vector<512x128xf32>
      %max3A_354 = arith.maximumf %max3A_343, %select_n3A_353 : vector<512x128xf32>
      %slice3A_355 = vector.extract_strided_slice %max3A_354 {offsets = [0, 124], sizes = [512, 4], strides = [1, 1]} : vector<512x128xf32> to vector<512x4xf32>
      %slice3A_356 = vector.extract_strided_slice %max3A_354 {offsets = [0, 0], sizes = [512, 124], strides = [1, 1]} : vector<512x128xf32> to vector<512x124xf32>
      %concatenate3A_357 = tpu.concatenate %slice3A_355, %slice3A_356 in 1 : vector<512x4xf32>, vector<512x124xf32> -> vector<512x128xf32>
      %iota3A_358 = tpu.iota {dimensions = array<i32: 1>} : vector<512x128xi32>
      %lt3A_359 = arith.constant 4 : i32
      %lt3A_360 = vector.broadcast %lt3A_359 : i32 to vector<512x128xi32>
      %lt3A_361 = arith.cmpi slt, %iota3A_358, %lt3A_360 : vector<512x128xi32>
      %jit3A_362 = arith.constant -3.000000e+38 : f32
      %broadcast_in_dim3A_363 = vector.broadcast %jit3A_362 : f32 to vector<512x128xf32>
      %select_n3A_364 = arith.select %lt3A_361, %broadcast_in_dim3A_363, %concatenate3A_357 : vector<512x128xi1>, vector<512x128xf32>
      %max3A_365 = arith.maximumf %max3A_354, %select_n3A_364 : vector<512x128xf32>
      %slice3A_366 = vector.extract_strided_slice %max3A_365 {offsets = [0, 120], sizes = [512, 8], strides = [1, 1]} : vector<512x128xf32> to vector<512x8xf32>
      %slice3A_367 = vector.extract_strided_slice %max3A_365 {offsets = [0, 0], sizes = [512, 120], strides = [1, 1]} : vector<512x128xf32> to vector<512x120xf32>
      %concatenate3A_368 = tpu.concatenate %slice3A_366, %slice3A_367 in 1 : vector<512x8xf32>, vector<512x120xf32> -> vector<512x128xf32>
      %iota3A_369 = tpu.iota {dimensions = array<i32: 1>} : vector<512x128xi32>
      %lt3A_370 = arith.constant 8 : i32
      %lt3A_371 = vector.broadcast %lt3A_370 : i32 to vector<512x128xi32>
      %lt3A_372 = arith.cmpi slt, %iota3A_369, %lt3A_371 : vector<512x128xi32>
      %jit3A_373 = arith.constant -3.000000e+38 : f32
      %broadcast_in_dim3A_374 = vector.broadcast %jit3A_373 : f32 to vector<512x128xf32>
      %select_n3A_375 = arith.select %lt3A_372, %broadcast_in_dim3A_374, %concatenate3A_368 : vector<512x128xi1>, vector<512x128xf32>
      %max3A_376 = arith.maximumf %max3A_365, %select_n3A_375 : vector<512x128xf32>
      %slice3A_377 = vector.extract_strided_slice %max3A_376 {offsets = [0, 112], sizes = [512, 16], strides = [1, 1]} : vector<512x128xf32> to vector<512x16xf32>
      %slice3A_378 = vector.extract_strided_slice %max3A_376 {offsets = [0, 0], sizes = [512, 112], strides = [1, 1]} : vector<512x128xf32> to vector<512x112xf32>
      %concatenate3A_379 = tpu.concatenate %slice3A_377, %slice3A_378 in 1 : vector<512x16xf32>, vector<512x112xf32> -> vector<512x128xf32>
      %iota3A_380 = tpu.iota {dimensions = array<i32: 1>} : vector<512x128xi32>
      %lt3A_381 = arith.constant 16 : i32
      %lt3A_382 = vector.broadcast %lt3A_381 : i32 to vector<512x128xi32>
      %lt3A_383 = arith.cmpi slt, %iota3A_380, %lt3A_382 : vector<512x128xi32>
      %jit3A_384 = arith.constant -3.000000e+38 : f32
      %broadcast_in_dim3A_385 = vector.broadcast %jit3A_384 : f32 to vector<512x128xf32>
      %select_n3A_386 = arith.select %lt3A_383, %broadcast_in_dim3A_385, %concatenate3A_379 : vector<512x128xi1>, vector<512x128xf32>
      %max3A_387 = arith.maximumf %max3A_376, %select_n3A_386 : vector<512x128xf32>
      %slice3A_388 = vector.extract_strided_slice %max3A_387 {offsets = [0, 96], sizes = [512, 32], strides = [1, 1]} : vector<512x128xf32> to vector<512x32xf32>
      %slice3A_389 = vector.extract_strided_slice %max3A_387 {offsets = [0, 0], sizes = [512, 96], strides = [1, 1]} : vector<512x128xf32> to vector<512x96xf32>
      %concatenate3A_390 = tpu.concatenate %slice3A_388, %slice3A_389 in 1 : vector<512x32xf32>, vector<512x96xf32> -> vector<512x128xf32>
      %iota3A_391 = tpu.iota {dimensions = array<i32: 1>} : vector<512x128xi32>
      %lt3A_392 = arith.constant 32 : i32
      %lt3A_393 = vector.broadcast %lt3A_392 : i32 to vector<512x128xi32>
      %lt3A_394 = arith.cmpi slt, %iota3A_391, %lt3A_393 : vector<512x128xi32>
      %jit3A_395 = arith.constant -3.000000e+38 : f32
      %broadcast_in_dim3A_396 = vector.broadcast %jit3A_395 : f32 to vector<512x128xf32>
      %select_n3A_397 = arith.select %lt3A_394, %broadcast_in_dim3A_396, %concatenate3A_390 : vector<512x128xi1>, vector<512x128xf32>
      %max3A_398 = arith.maximumf %max3A_387, %select_n3A_397 : vector<512x128xf32>
      %slice3A_399 = vector.extract_strided_slice %max3A_398 {offsets = [0, 64], sizes = [512, 64], strides = [1, 1]} : vector<512x128xf32> to vector<512x64xf32>
      %slice3A_400 = vector.extract_strided_slice %max3A_398 {offsets = [0, 0], sizes = [512, 64], strides = [1, 1]} : vector<512x128xf32> to vector<512x64xf32>
      %concatenate3A_401 = tpu.concatenate %slice3A_399, %slice3A_400 in 1 : vector<512x64xf32>, vector<512x64xf32> -> vector<512x128xf32>
      %iota3A_402 = tpu.iota {dimensions = array<i32: 1>} : vector<512x128xi32>
      %lt3A_403 = arith.constant 64 : i32
      %lt3A_404 = vector.broadcast %lt3A_403 : i32 to vector<512x128xi32>
      %lt3A_405 = arith.cmpi slt, %iota3A_402, %lt3A_404 : vector<512x128xi32>
      %jit3A_406 = arith.constant -3.000000e+38 : f32
      %broadcast_in_dim3A_407 = vector.broadcast %jit3A_406 : f32 to vector<512x128xf32>
      %select_n3A_408 = arith.select %lt3A_405, %broadcast_in_dim3A_407, %concatenate3A_401 : vector<512x128xi1>, vector<512x128xf32>
      %max3A_409 = arith.maximumf %max3A_398, %select_n3A_408 : vector<512x128xf32>
      %add3A_410 = arith.addf %dot_general3A_317, %max3A_409 : vector<512x128xf32>
      %get3A_411 = arith.constant 0 : index
      %get3A_412 = arith.constant 512 : index
      %get3A_413 = vector.load %arg2[%get3A_411, %get3A_412] : memref<512x1024xf32, #tpu.memory_space<vmem>>, vector<512x128xf32>
      %mul3A_414 = arith.constant 5.000000e-01 : f32
      %mul3A_415 = vector.broadcast %mul3A_414 : f32 to vector<512x128xf32>
      %mul3A_416 = arith.mulf %mul3A_415, %get3A_413 : vector<512x128xf32>
      %dot_general3A_417 = arith.constant dense<0.000000e+00> : vector<512x128xf32>
      %dot_general3A_418 = tpu.matmul %mul3A_416, %get3A_1, %dot_general3A_417 {dimension_numbers = #tpu.dot_dimension_numbers<[1], [0], [0], [1], [0, 0, 1, 1], [], []>, transpose_lhs_hint = false} : vector<512x128xf32>, vector<128x128xf32>, vector<512x128xf32> -> vector<512x128xf32>
      %add3A_419 = arith.addf %add3A_410, %mul3A_315 : vector<512x128xf32>
      %add3A_420 = arith.addf %add3A_419, %mul3A_416 : vector<512x128xf32>
      %slice3A_421 = vector.extract_strided_slice %add3A_419 {offsets = [0, 127], sizes = [512, 1], strides = [1, 1]} : vector<512x128xf32> to vector<512x1xf32>
      %slice3A_422 = vector.extract_strided_slice %add3A_419 {offsets = [0, 0], sizes = [512, 127], strides = [1, 1]} : vector<512x128xf32> to vector<512x127xf32>
      %concatenate3A_423 = tpu.concatenate %slice3A_421, %slice3A_422 in 1 : vector<512x1xf32>, vector<512x127xf32> -> vector<512x128xf32>
      %iota3A_424 = tpu.iota {dimensions = array<i32: 1>} : vector<512x128xi32>
      %lt3A_425 = arith.constant 1 : i32
      %lt3A_426 = vector.broadcast %lt3A_425 : i32 to vector<512x128xi32>
      %lt3A_427 = arith.cmpi slt, %iota3A_424, %lt3A_426 : vector<512x128xi32>
      %jit3A_428 = arith.constant -3.000000e+38 : f32
      %broadcast_in_dim3A_429 = vector.broadcast %jit3A_428 : f32 to vector<512x128xf32>
      %select_n3A_430 = arith.select %lt3A_427, %broadcast_in_dim3A_429, %concatenate3A_423 : vector<512x128xi1>, vector<512x128xf32>
      %add3A_431 = arith.addf %select_n3A_430, %mul3A_416 : vector<512x128xf32>
      %max3A_432 = arith.maximumf %add3A_420, %add3A_431 : vector<512x128xf32>
      %sub3A_433 = arith.subf %max3A_432, %dot_general3A_418 : vector<512x128xf32>
      %slice3A_434 = vector.extract_strided_slice %sub3A_433 {offsets = [0, 127], sizes = [512, 1], strides = [1, 1]} : vector<512x128xf32> to vector<512x1xf32>
      %slice3A_435 = vector.extract_strided_slice %sub3A_433 {offsets = [0, 0], sizes = [512, 127], strides = [1, 1]} : vector<512x128xf32> to vector<512x127xf32>
      %concatenate3A_436 = tpu.concatenate %slice3A_434, %slice3A_435 in 1 : vector<512x1xf32>, vector<512x127xf32> -> vector<512x128xf32>
      %iota3A_437 = tpu.iota {dimensions = array<i32: 1>} : vector<512x128xi32>
      %lt3A_438 = arith.constant 1 : i32
      %lt3A_439 = vector.broadcast %lt3A_438 : i32 to vector<512x128xi32>
      %lt3A_440 = arith.cmpi slt, %iota3A_437, %lt3A_439 : vector<512x128xi32>
      %jit3A_441 = arith.constant -3.000000e+38 : f32
      %broadcast_in_dim3A_442 = vector.broadcast %jit3A_441 : f32 to vector<512x128xf32>
      %select_n3A_443 = arith.select %lt3A_440, %broadcast_in_dim3A_442, %concatenate3A_436 : vector<512x128xi1>, vector<512x128xf32>
      %max3A_444 = arith.maximumf %sub3A_433, %select_n3A_443 : vector<512x128xf32>
      %slice3A_445 = vector.extract_strided_slice %max3A_444 {offsets = [0, 126], sizes = [512, 2], strides = [1, 1]} : vector<512x128xf32> to vector<512x2xf32>
      %slice3A_446 = vector.extract_strided_slice %max3A_444 {offsets = [0, 0], sizes = [512, 126], strides = [1, 1]} : vector<512x128xf32> to vector<512x126xf32>
      %concatenate3A_447 = tpu.concatenate %slice3A_445, %slice3A_446 in 1 : vector<512x2xf32>, vector<512x126xf32> -> vector<512x128xf32>
      %iota3A_448 = tpu.iota {dimensions = array<i32: 1>} : vector<512x128xi32>
      %lt3A_449 = arith.constant 2 : i32
      %lt3A_450 = vector.broadcast %lt3A_449 : i32 to vector<512x128xi32>
      %lt3A_451 = arith.cmpi slt, %iota3A_448, %lt3A_450 : vector<512x128xi32>
      %jit3A_452 = arith.constant -3.000000e+38 : f32
      %broadcast_in_dim3A_453 = vector.broadcast %jit3A_452 : f32 to vector<512x128xf32>
      %select_n3A_454 = arith.select %lt3A_451, %broadcast_in_dim3A_453, %concatenate3A_447 : vector<512x128xi1>, vector<512x128xf32>
      %max3A_455 = arith.maximumf %max3A_444, %select_n3A_454 : vector<512x128xf32>
      %slice3A_456 = vector.extract_strided_slice %max3A_455 {offsets = [0, 124], sizes = [512, 4], strides = [1, 1]} : vector<512x128xf32> to vector<512x4xf32>
      %slice3A_457 = vector.extract_strided_slice %max3A_455 {offsets = [0, 0], sizes = [512, 124], strides = [1, 1]} : vector<512x128xf32> to vector<512x124xf32>
      %concatenate3A_458 = tpu.concatenate %slice3A_456, %slice3A_457 in 1 : vector<512x4xf32>, vector<512x124xf32> -> vector<512x128xf32>
      %iota3A_459 = tpu.iota {dimensions = array<i32: 1>} : vector<512x128xi32>
      %lt3A_460 = arith.constant 4 : i32
      %lt3A_461 = vector.broadcast %lt3A_460 : i32 to vector<512x128xi32>
      %lt3A_462 = arith.cmpi slt, %iota3A_459, %lt3A_461 : vector<512x128xi32>
      %jit3A_463 = arith.constant -3.000000e+38 : f32
      %broadcast_in_dim3A_464 = vector.broadcast %jit3A_463 : f32 to vector<512x128xf32>
      %select_n3A_465 = arith.select %lt3A_462, %broadcast_in_dim3A_464, %concatenate3A_458 : vector<512x128xi1>, vector<512x128xf32>
      %max3A_466 = arith.maximumf %max3A_455, %select_n3A_465 : vector<512x128xf32>
      %slice3A_467 = vector.extract_strided_slice %max3A_466 {offsets = [0, 120], sizes = [512, 8], strides = [1, 1]} : vector<512x128xf32> to vector<512x8xf32>
      %slice3A_468 = vector.extract_strided_slice %max3A_466 {offsets = [0, 0], sizes = [512, 120], strides = [1, 1]} : vector<512x128xf32> to vector<512x120xf32>
      %concatenate3A_469 = tpu.concatenate %slice3A_467, %slice3A_468 in 1 : vector<512x8xf32>, vector<512x120xf32> -> vector<512x128xf32>
      %iota3A_470 = tpu.iota {dimensions = array<i32: 1>} : vector<512x128xi32>
      %lt3A_471 = arith.constant 8 : i32
      %lt3A_472 = vector.broadcast %lt3A_471 : i32 to vector<512x128xi32>
      %lt3A_473 = arith.cmpi slt, %iota3A_470, %lt3A_472 : vector<512x128xi32>
      %jit3A_474 = arith.constant -3.000000e+38 : f32
      %broadcast_in_dim3A_475 = vector.broadcast %jit3A_474 : f32 to vector<512x128xf32>
      %select_n3A_476 = arith.select %lt3A_473, %broadcast_in_dim3A_475, %concatenate3A_469 : vector<512x128xi1>, vector<512x128xf32>
      %max3A_477 = arith.maximumf %max3A_466, %select_n3A_476 : vector<512x128xf32>
      %slice3A_478 = vector.extract_strided_slice %max3A_477 {offsets = [0, 112], sizes = [512, 16], strides = [1, 1]} : vector<512x128xf32> to vector<512x16xf32>
      %slice3A_479 = vector.extract_strided_slice %max3A_477 {offsets = [0, 0], sizes = [512, 112], strides = [1, 1]} : vector<512x128xf32> to vector<512x112xf32>
      %concatenate3A_480 = tpu.concatenate %slice3A_478, %slice3A_479 in 1 : vector<512x16xf32>, vector<512x112xf32> -> vector<512x128xf32>
      %iota3A_481 = tpu.iota {dimensions = array<i32: 1>} : vector<512x128xi32>
      %lt3A_482 = arith.constant 16 : i32
      %lt3A_483 = vector.broadcast %lt3A_482 : i32 to vector<512x128xi32>
      %lt3A_484 = arith.cmpi slt, %iota3A_481, %lt3A_483 : vector<512x128xi32>
      %jit3A_485 = arith.constant -3.000000e+38 : f32
      %broadcast_in_dim3A_486 = vector.broadcast %jit3A_485 : f32 to vector<512x128xf32>
      %select_n3A_487 = arith.select %lt3A_484, %broadcast_in_dim3A_486, %concatenate3A_480 : vector<512x128xi1>, vector<512x128xf32>
      %max3A_488 = arith.maximumf %max3A_477, %select_n3A_487 : vector<512x128xf32>
      %slice3A_489 = vector.extract_strided_slice %max3A_488 {offsets = [0, 96], sizes = [512, 32], strides = [1, 1]} : vector<512x128xf32> to vector<512x32xf32>
      %slice3A_490 = vector.extract_strided_slice %max3A_488 {offsets = [0, 0], sizes = [512, 96], strides = [1, 1]} : vector<512x128xf32> to vector<512x96xf32>
      %concatenate3A_491 = tpu.concatenate %slice3A_489, %slice3A_490 in 1 : vector<512x32xf32>, vector<512x96xf32> -> vector<512x128xf32>
      %iota3A_492 = tpu.iota {dimensions = array<i32: 1>} : vector<512x128xi32>
      %lt3A_493 = arith.constant 32 : i32
      %lt3A_494 = vector.broadcast %lt3A_493 : i32 to vector<512x128xi32>
      %lt3A_495 = arith.cmpi slt, %iota3A_492, %lt3A_494 : vector<512x128xi32>
      %jit3A_496 = arith.constant -3.000000e+38 : f32
      %broadcast_in_dim3A_497 = vector.broadcast %jit3A_496 : f32 to vector<512x128xf32>
      %select_n3A_498 = arith.select %lt3A_495, %broadcast_in_dim3A_497, %concatenate3A_491 : vector<512x128xi1>, vector<512x128xf32>
      %max3A_499 = arith.maximumf %max3A_488, %select_n3A_498 : vector<512x128xf32>
      %slice3A_500 = vector.extract_strided_slice %max3A_499 {offsets = [0, 64], sizes = [512, 64], strides = [1, 1]} : vector<512x128xf32> to vector<512x64xf32>
      %slice3A_501 = vector.extract_strided_slice %max3A_499 {offsets = [0, 0], sizes = [512, 64], strides = [1, 1]} : vector<512x128xf32> to vector<512x64xf32>
      %concatenate3A_502 = tpu.concatenate %slice3A_500, %slice3A_501 in 1 : vector<512x64xf32>, vector<512x64xf32> -> vector<512x128xf32>
      %iota3A_503 = tpu.iota {dimensions = array<i32: 1>} : vector<512x128xi32>
      %lt3A_504 = arith.constant 64 : i32
      %lt3A_505 = vector.broadcast %lt3A_504 : i32 to vector<512x128xi32>
      %lt3A_506 = arith.cmpi slt, %iota3A_503, %lt3A_505 : vector<512x128xi32>
      %jit3A_507 = arith.constant -3.000000e+38 : f32
      %broadcast_in_dim3A_508 = vector.broadcast %jit3A_507 : f32 to vector<512x128xf32>
      %select_n3A_509 = arith.select %lt3A_506, %broadcast_in_dim3A_508, %concatenate3A_502 : vector<512x128xi1>, vector<512x128xf32>
      %max3A_510 = arith.maximumf %max3A_499, %select_n3A_509 : vector<512x128xf32>
      %add3A_511 = arith.addf %dot_general3A_418, %max3A_510 : vector<512x128xf32>
      %get3A_512 = arith.constant 0 : index
      %get3A_513 = arith.constant 640 : index
      %get3A_514 = vector.load %arg2[%get3A_512, %get3A_513] : memref<512x1024xf32, #tpu.memory_space<vmem>>, vector<512x128xf32>
      %mul3A_515 = arith.constant 5.000000e-01 : f32
      %mul3A_516 = vector.broadcast %mul3A_515 : f32 to vector<512x128xf32>
      %mul3A_517 = arith.mulf %mul3A_516, %get3A_514 : vector<512x128xf32>
      %dot_general3A_518 = arith.constant dense<0.000000e+00> : vector<512x128xf32>
      %dot_general3A_519 = tpu.matmul %mul3A_517, %get3A_1, %dot_general3A_518 {dimension_numbers = #tpu.dot_dimension_numbers<[1], [0], [0], [1], [0, 0, 1, 1], [], []>, transpose_lhs_hint = false} : vector<512x128xf32>, vector<128x128xf32>, vector<512x128xf32> -> vector<512x128xf32>
      %add3A_520 = arith.addf %add3A_511, %mul3A_416 : vector<512x128xf32>
      %add3A_521 = arith.addf %add3A_520, %mul3A_517 : vector<512x128xf32>
      %slice3A_522 = vector.extract_strided_slice %add3A_520 {offsets = [0, 127], sizes = [512, 1], strides = [1, 1]} : vector<512x128xf32> to vector<512x1xf32>
      %slice3A_523 = vector.extract_strided_slice %add3A_520 {offsets = [0, 0], sizes = [512, 127], strides = [1, 1]} : vector<512x128xf32> to vector<512x127xf32>
      %concatenate3A_524 = tpu.concatenate %slice3A_522, %slice3A_523 in 1 : vector<512x1xf32>, vector<512x127xf32> -> vector<512x128xf32>
      %iota3A_525 = tpu.iota {dimensions = array<i32: 1>} : vector<512x128xi32>
      %lt3A_526 = arith.constant 1 : i32
      %lt3A_527 = vector.broadcast %lt3A_526 : i32 to vector<512x128xi32>
      %lt3A_528 = arith.cmpi slt, %iota3A_525, %lt3A_527 : vector<512x128xi32>
      %jit3A_529 = arith.constant -3.000000e+38 : f32
      %broadcast_in_dim3A_530 = vector.broadcast %jit3A_529 : f32 to vector<512x128xf32>
      %select_n3A_531 = arith.select %lt3A_528, %broadcast_in_dim3A_530, %concatenate3A_524 : vector<512x128xi1>, vector<512x128xf32>
      %add3A_532 = arith.addf %select_n3A_531, %mul3A_517 : vector<512x128xf32>
      %max3A_533 = arith.maximumf %add3A_521, %add3A_532 : vector<512x128xf32>
      %sub3A_534 = arith.subf %max3A_533, %dot_general3A_519 : vector<512x128xf32>
      %slice3A_535 = vector.extract_strided_slice %sub3A_534 {offsets = [0, 127], sizes = [512, 1], strides = [1, 1]} : vector<512x128xf32> to vector<512x1xf32>
      %slice3A_536 = vector.extract_strided_slice %sub3A_534 {offsets = [0, 0], sizes = [512, 127], strides = [1, 1]} : vector<512x128xf32> to vector<512x127xf32>
      %concatenate3A_537 = tpu.concatenate %slice3A_535, %slice3A_536 in 1 : vector<512x1xf32>, vector<512x127xf32> -> vector<512x128xf32>
      %iota3A_538 = tpu.iota {dimensions = array<i32: 1>} : vector<512x128xi32>
      %lt3A_539 = arith.constant 1 : i32
      %lt3A_540 = vector.broadcast %lt3A_539 : i32 to vector<512x128xi32>
      %lt3A_541 = arith.cmpi slt, %iota3A_538, %lt3A_540 : vector<512x128xi32>
      %jit3A_542 = arith.constant -3.000000e+38 : f32
      %broadcast_in_dim3A_543 = vector.broadcast %jit3A_542 : f32 to vector<512x128xf32>
      %select_n3A_544 = arith.select %lt3A_541, %broadcast_in_dim3A_543, %concatenate3A_537 : vector<512x128xi1>, vector<512x128xf32>
      %max3A_545 = arith.maximumf %sub3A_534, %select_n3A_544 : vector<512x128xf32>
      %slice3A_546 = vector.extract_strided_slice %max3A_545 {offsets = [0, 126], sizes = [512, 2], strides = [1, 1]} : vector<512x128xf32> to vector<512x2xf32>
      %slice3A_547 = vector.extract_strided_slice %max3A_545 {offsets = [0, 0], sizes = [512, 126], strides = [1, 1]} : vector<512x128xf32> to vector<512x126xf32>
      %concatenate3A_548 = tpu.concatenate %slice3A_546, %slice3A_547 in 1 : vector<512x2xf32>, vector<512x126xf32> -> vector<512x128xf32>
      %iota3A_549 = tpu.iota {dimensions = array<i32: 1>} : vector<512x128xi32>
      %lt3A_550 = arith.constant 2 : i32
      %lt3A_551 = vector.broadcast %lt3A_550 : i32 to vector<512x128xi32>
      %lt3A_552 = arith.cmpi slt, %iota3A_549, %lt3A_551 : vector<512x128xi32>
      %jit3A_553 = arith.constant -3.000000e+38 : f32
      %broadcast_in_dim3A_554 = vector.broadcast %jit3A_553 : f32 to vector<512x128xf32>
      %select_n3A_555 = arith.select %lt3A_552, %broadcast_in_dim3A_554, %concatenate3A_548 : vector<512x128xi1>, vector<512x128xf32>
      %max3A_556 = arith.maximumf %max3A_545, %select_n3A_555 : vector<512x128xf32>
      %slice3A_557 = vector.extract_strided_slice %max3A_556 {offsets = [0, 124], sizes = [512, 4], strides = [1, 1]} : vector<512x128xf32> to vector<512x4xf32>
      %slice3A_558 = vector.extract_strided_slice %max3A_556 {offsets = [0, 0], sizes = [512, 124], strides = [1, 1]} : vector<512x128xf32> to vector<512x124xf32>
      %concatenate3A_559 = tpu.concatenate %slice3A_557, %slice3A_558 in 1 : vector<512x4xf32>, vector<512x124xf32> -> vector<512x128xf32>
      %iota3A_560 = tpu.iota {dimensions = array<i32: 1>} : vector<512x128xi32>
      %lt3A_561 = arith.constant 4 : i32
      %lt3A_562 = vector.broadcast %lt3A_561 : i32 to vector<512x128xi32>
      %lt3A_563 = arith.cmpi slt, %iota3A_560, %lt3A_562 : vector<512x128xi32>
      %jit3A_564 = arith.constant -3.000000e+38 : f32
      %broadcast_in_dim3A_565 = vector.broadcast %jit3A_564 : f32 to vector<512x128xf32>
      %select_n3A_566 = arith.select %lt3A_563, %broadcast_in_dim3A_565, %concatenate3A_559 : vector<512x128xi1>, vector<512x128xf32>
      %max3A_567 = arith.maximumf %max3A_556, %select_n3A_566 : vector<512x128xf32>
      %slice3A_568 = vector.extract_strided_slice %max3A_567 {offsets = [0, 120], sizes = [512, 8], strides = [1, 1]} : vector<512x128xf32> to vector<512x8xf32>
      %slice3A_569 = vector.extract_strided_slice %max3A_567 {offsets = [0, 0], sizes = [512, 120], strides = [1, 1]} : vector<512x128xf32> to vector<512x120xf32>
      %concatenate3A_570 = tpu.concatenate %slice3A_568, %slice3A_569 in 1 : vector<512x8xf32>, vector<512x120xf32> -> vector<512x128xf32>
      %iota3A_571 = tpu.iota {dimensions = array<i32: 1>} : vector<512x128xi32>
      %lt3A_572 = arith.constant 8 : i32
      %lt3A_573 = vector.broadcast %lt3A_572 : i32 to vector<512x128xi32>
      %lt3A_574 = arith.cmpi slt, %iota3A_571, %lt3A_573 : vector<512x128xi32>
      %jit3A_575 = arith.constant -3.000000e+38 : f32
      %broadcast_in_dim3A_576 = vector.broadcast %jit3A_575 : f32 to vector<512x128xf32>
      %select_n3A_577 = arith.select %lt3A_574, %broadcast_in_dim3A_576, %concatenate3A_570 : vector<512x128xi1>, vector<512x128xf32>
      %max3A_578 = arith.maximumf %max3A_567, %select_n3A_577 : vector<512x128xf32>
      %slice3A_579 = vector.extract_strided_slice %max3A_578 {offsets = [0, 112], sizes = [512, 16], strides = [1, 1]} : vector<512x128xf32> to vector<512x16xf32>
      %slice3A_580 = vector.extract_strided_slice %max3A_578 {offsets = [0, 0], sizes = [512, 112], strides = [1, 1]} : vector<512x128xf32> to vector<512x112xf32>
      %concatenate3A_581 = tpu.concatenate %slice3A_579, %slice3A_580 in 1 : vector<512x16xf32>, vector<512x112xf32> -> vector<512x128xf32>
      %iota3A_582 = tpu.iota {dimensions = array<i32: 1>} : vector<512x128xi32>
      %lt3A_583 = arith.constant 16 : i32
      %lt3A_584 = vector.broadcast %lt3A_583 : i32 to vector<512x128xi32>
      %lt3A_585 = arith.cmpi slt, %iota3A_582, %lt3A_584 : vector<512x128xi32>
      %jit3A_586 = arith.constant -3.000000e+38 : f32
      %broadcast_in_dim3A_587 = vector.broadcast %jit3A_586 : f32 to vector<512x128xf32>
      %select_n3A_588 = arith.select %lt3A_585, %broadcast_in_dim3A_587, %concatenate3A_581 : vector<512x128xi1>, vector<512x128xf32>
      %max3A_589 = arith.maximumf %max3A_578, %select_n3A_588 : vector<512x128xf32>
      %slice3A_590 = vector.extract_strided_slice %max3A_589 {offsets = [0, 96], sizes = [512, 32], strides = [1, 1]} : vector<512x128xf32> to vector<512x32xf32>
      %slice3A_591 = vector.extract_strided_slice %max3A_589 {offsets = [0, 0], sizes = [512, 96], strides = [1, 1]} : vector<512x128xf32> to vector<512x96xf32>
      %concatenate3A_592 = tpu.concatenate %slice3A_590, %slice3A_591 in 1 : vector<512x32xf32>, vector<512x96xf32> -> vector<512x128xf32>
      %iota3A_593 = tpu.iota {dimensions = array<i32: 1>} : vector<512x128xi32>
      %lt3A_594 = arith.constant 32 : i32
      %lt3A_595 = vector.broadcast %lt3A_594 : i32 to vector<512x128xi32>
      %lt3A_596 = arith.cmpi slt, %iota3A_593, %lt3A_595 : vector<512x128xi32>
      %jit3A_597 = arith.constant -3.000000e+38 : f32
      %broadcast_in_dim3A_598 = vector.broadcast %jit3A_597 : f32 to vector<512x128xf32>
      %select_n3A_599 = arith.select %lt3A_596, %broadcast_in_dim3A_598, %concatenate3A_592 : vector<512x128xi1>, vector<512x128xf32>
      %max3A_600 = arith.maximumf %max3A_589, %select_n3A_599 : vector<512x128xf32>
      %slice3A_601 = vector.extract_strided_slice %max3A_600 {offsets = [0, 64], sizes = [512, 64], strides = [1, 1]} : vector<512x128xf32> to vector<512x64xf32>
      %slice3A_602 = vector.extract_strided_slice %max3A_600 {offsets = [0, 0], sizes = [512, 64], strides = [1, 1]} : vector<512x128xf32> to vector<512x64xf32>
      %concatenate3A_603 = tpu.concatenate %slice3A_601, %slice3A_602 in 1 : vector<512x64xf32>, vector<512x64xf32> -> vector<512x128xf32>
      %iota3A_604 = tpu.iota {dimensions = array<i32: 1>} : vector<512x128xi32>
      %lt3A_605 = arith.constant 64 : i32
      %lt3A_606 = vector.broadcast %lt3A_605 : i32 to vector<512x128xi32>
      %lt3A_607 = arith.cmpi slt, %iota3A_604, %lt3A_606 : vector<512x128xi32>
      %jit3A_608 = arith.constant -3.000000e+38 : f32
      %broadcast_in_dim3A_609 = vector.broadcast %jit3A_608 : f32 to vector<512x128xf32>
      %select_n3A_610 = arith.select %lt3A_607, %broadcast_in_dim3A_609, %concatenate3A_603 : vector<512x128xi1>, vector<512x128xf32>
      %max3A_611 = arith.maximumf %max3A_600, %select_n3A_610 : vector<512x128xf32>
      %add3A_612 = arith.addf %dot_general3A_519, %max3A_611 : vector<512x128xf32>
      %get3A_613 = arith.constant 0 : index
      %get3A_614 = arith.constant 768 : index
      %get3A_615 = vector.load %arg2[%get3A_613, %get3A_614] : memref<512x1024xf32, #tpu.memory_space<vmem>>, vector<512x128xf32>
      %mul3A_616 = arith.constant 5.000000e-01 : f32
      %mul3A_617 = vector.broadcast %mul3A_616 : f32 to vector<512x128xf32>
      %mul3A_618 = arith.mulf %mul3A_617, %get3A_615 : vector<512x128xf32>
      %dot_general3A_619 = arith.constant dense<0.000000e+00> : vector<512x128xf32>
      %dot_general3A_620 = tpu.matmul %mul3A_618, %get3A_1, %dot_general3A_619 {dimension_numbers = #tpu.dot_dimension_numbers<[1], [0], [0], [1], [0, 0, 1, 1], [], []>, transpose_lhs_hint = false} : vector<512x128xf32>, vector<128x128xf32>, vector<512x128xf32> -> vector<512x128xf32>
      %add3A_621 = arith.addf %add3A_612, %mul3A_517 : vector<512x128xf32>
      %add3A_622 = arith.addf %add3A_621, %mul3A_618 : vector<512x128xf32>
      %slice3A_623 = vector.extract_strided_slice %add3A_621 {offsets = [0, 127], sizes = [512, 1], strides = [1, 1]} : vector<512x128xf32> to vector<512x1xf32>
      %slice3A_624 = vector.extract_strided_slice %add3A_621 {offsets = [0, 0], sizes = [512, 127], strides = [1, 1]} : vector<512x128xf32> to vector<512x127xf32>
      %concatenate3A_625 = tpu.concatenate %slice3A_623, %slice3A_624 in 1 : vector<512x1xf32>, vector<512x127xf32> -> vector<512x128xf32>
      %iota3A_626 = tpu.iota {dimensions = array<i32: 1>} : vector<512x128xi32>
      %lt3A_627 = arith.constant 1 : i32
      %lt3A_628 = vector.broadcast %lt3A_627 : i32 to vector<512x128xi32>
      %lt3A_629 = arith.cmpi slt, %iota3A_626, %lt3A_628 : vector<512x128xi32>
      %jit3A_630 = arith.constant -3.000000e+38 : f32
      %broadcast_in_dim3A_631 = vector.broadcast %jit3A_630 : f32 to vector<512x128xf32>
      %select_n3A_632 = arith.select %lt3A_629, %broadcast_in_dim3A_631, %concatenate3A_625 : vector<512x128xi1>, vector<512x128xf32>
      %add3A_633 = arith.addf %select_n3A_632, %mul3A_618 : vector<512x128xf32>
      %max3A_634 = arith.maximumf %add3A_622, %add3A_633 : vector<512x128xf32>
      %sub3A_635 = arith.subf %max3A_634, %dot_general3A_620 : vector<512x128xf32>
      %slice3A_636 = vector.extract_strided_slice %sub3A_635 {offsets = [0, 127], sizes = [512, 1], strides = [1, 1]} : vector<512x128xf32> to vector<512x1xf32>
      %slice3A_637 = vector.extract_strided_slice %sub3A_635 {offsets = [0, 0], sizes = [512, 127], strides = [1, 1]} : vector<512x128xf32> to vector<512x127xf32>
      %concatenate3A_638 = tpu.concatenate %slice3A_636, %slice3A_637 in 1 : vector<512x1xf32>, vector<512x127xf32> -> vector<512x128xf32>
      %iota3A_639 = tpu.iota {dimensions = array<i32: 1>} : vector<512x128xi32>
      %lt3A_640 = arith.constant 1 : i32
      %lt3A_641 = vector.broadcast %lt3A_640 : i32 to vector<512x128xi32>
      %lt3A_642 = arith.cmpi slt, %iota3A_639, %lt3A_641 : vector<512x128xi32>
      %jit3A_643 = arith.constant -3.000000e+38 : f32
      %broadcast_in_dim3A_644 = vector.broadcast %jit3A_643 : f32 to vector<512x128xf32>
      %select_n3A_645 = arith.select %lt3A_642, %broadcast_in_dim3A_644, %concatenate3A_638 : vector<512x128xi1>, vector<512x128xf32>
      %max3A_646 = arith.maximumf %sub3A_635, %select_n3A_645 : vector<512x128xf32>
      %slice3A_647 = vector.extract_strided_slice %max3A_646 {offsets = [0, 126], sizes = [512, 2], strides = [1, 1]} : vector<512x128xf32> to vector<512x2xf32>
      %slice3A_648 = vector.extract_strided_slice %max3A_646 {offsets = [0, 0], sizes = [512, 126], strides = [1, 1]} : vector<512x128xf32> to vector<512x126xf32>
      %concatenate3A_649 = tpu.concatenate %slice3A_647, %slice3A_648 in 1 : vector<512x2xf32>, vector<512x126xf32> -> vector<512x128xf32>
      %iota3A_650 = tpu.iota {dimensions = array<i32: 1>} : vector<512x128xi32>
      %lt3A_651 = arith.constant 2 : i32
      %lt3A_652 = vector.broadcast %lt3A_651 : i32 to vector<512x128xi32>
      %lt3A_653 = arith.cmpi slt, %iota3A_650, %lt3A_652 : vector<512x128xi32>
      %jit3A_654 = arith.constant -3.000000e+38 : f32
      %broadcast_in_dim3A_655 = vector.broadcast %jit3A_654 : f32 to vector<512x128xf32>
      %select_n3A_656 = arith.select %lt3A_653, %broadcast_in_dim3A_655, %concatenate3A_649 : vector<512x128xi1>, vector<512x128xf32>
      %max3A_657 = arith.maximumf %max3A_646, %select_n3A_656 : vector<512x128xf32>
      %slice3A_658 = vector.extract_strided_slice %max3A_657 {offsets = [0, 124], sizes = [512, 4], strides = [1, 1]} : vector<512x128xf32> to vector<512x4xf32>
      %slice3A_659 = vector.extract_strided_slice %max3A_657 {offsets = [0, 0], sizes = [512, 124], strides = [1, 1]} : vector<512x128xf32> to vector<512x124xf32>
      %concatenate3A_660 = tpu.concatenate %slice3A_658, %slice3A_659 in 1 : vector<512x4xf32>, vector<512x124xf32> -> vector<512x128xf32>
      %iota3A_661 = tpu.iota {dimensions = array<i32: 1>} : vector<512x128xi32>
      %lt3A_662 = arith.constant 4 : i32
      %lt3A_663 = vector.broadcast %lt3A_662 : i32 to vector<512x128xi32>
      %lt3A_664 = arith.cmpi slt, %iota3A_661, %lt3A_663 : vector<512x128xi32>
      %jit3A_665 = arith.constant -3.000000e+38 : f32
      %broadcast_in_dim3A_666 = vector.broadcast %jit3A_665 : f32 to vector<512x128xf32>
      %select_n3A_667 = arith.select %lt3A_664, %broadcast_in_dim3A_666, %concatenate3A_660 : vector<512x128xi1>, vector<512x128xf32>
      %max3A_668 = arith.maximumf %max3A_657, %select_n3A_667 : vector<512x128xf32>
      %slice3A_669 = vector.extract_strided_slice %max3A_668 {offsets = [0, 120], sizes = [512, 8], strides = [1, 1]} : vector<512x128xf32> to vector<512x8xf32>
      %slice3A_670 = vector.extract_strided_slice %max3A_668 {offsets = [0, 0], sizes = [512, 120], strides = [1, 1]} : vector<512x128xf32> to vector<512x120xf32>
      %concatenate3A_671 = tpu.concatenate %slice3A_669, %slice3A_670 in 1 : vector<512x8xf32>, vector<512x120xf32> -> vector<512x128xf32>
      %iota3A_672 = tpu.iota {dimensions = array<i32: 1>} : vector<512x128xi32>
      %lt3A_673 = arith.constant 8 : i32
      %lt3A_674 = vector.broadcast %lt3A_673 : i32 to vector<512x128xi32>
      %lt3A_675 = arith.cmpi slt, %iota3A_672, %lt3A_674 : vector<512x128xi32>
      %jit3A_676 = arith.constant -3.000000e+38 : f32
      %broadcast_in_dim3A_677 = vector.broadcast %jit3A_676 : f32 to vector<512x128xf32>
      %select_n3A_678 = arith.select %lt3A_675, %broadcast_in_dim3A_677, %concatenate3A_671 : vector<512x128xi1>, vector<512x128xf32>
      %max3A_679 = arith.maximumf %max3A_668, %select_n3A_678 : vector<512x128xf32>
      %slice3A_680 = vector.extract_strided_slice %max3A_679 {offsets = [0, 112], sizes = [512, 16], strides = [1, 1]} : vector<512x128xf32> to vector<512x16xf32>
      %slice3A_681 = vector.extract_strided_slice %max3A_679 {offsets = [0, 0], sizes = [512, 112], strides = [1, 1]} : vector<512x128xf32> to vector<512x112xf32>
      %concatenate3A_682 = tpu.concatenate %slice3A_680, %slice3A_681 in 1 : vector<512x16xf32>, vector<512x112xf32> -> vector<512x128xf32>
      %iota3A_683 = tpu.iota {dimensions = array<i32: 1>} : vector<512x128xi32>
      %lt3A_684 = arith.constant 16 : i32
      %lt3A_685 = vector.broadcast %lt3A_684 : i32 to vector<512x128xi32>
      %lt3A_686 = arith.cmpi slt, %iota3A_683, %lt3A_685 : vector<512x128xi32>
      %jit3A_687 = arith.constant -3.000000e+38 : f32
      %broadcast_in_dim3A_688 = vector.broadcast %jit3A_687 : f32 to vector<512x128xf32>
      %select_n3A_689 = arith.select %lt3A_686, %broadcast_in_dim3A_688, %concatenate3A_682 : vector<512x128xi1>, vector<512x128xf32>
      %max3A_690 = arith.maximumf %max3A_679, %select_n3A_689 : vector<512x128xf32>
      %slice3A_691 = vector.extract_strided_slice %max3A_690 {offsets = [0, 96], sizes = [512, 32], strides = [1, 1]} : vector<512x128xf32> to vector<512x32xf32>
      %slice3A_692 = vector.extract_strided_slice %max3A_690 {offsets = [0, 0], sizes = [512, 96], strides = [1, 1]} : vector<512x128xf32> to vector<512x96xf32>
      %concatenate3A_693 = tpu.concatenate %slice3A_691, %slice3A_692 in 1 : vector<512x32xf32>, vector<512x96xf32> -> vector<512x128xf32>
      %iota3A_694 = tpu.iota {dimensions = array<i32: 1>} : vector<512x128xi32>
      %lt3A_695 = arith.constant 32 : i32
      %lt3A_696 = vector.broadcast %lt3A_695 : i32 to vector<512x128xi32>
      %lt3A_697 = arith.cmpi slt, %iota3A_694, %lt3A_696 : vector<512x128xi32>
      %jit3A_698 = arith.constant -3.000000e+38 : f32
      %broadcast_in_dim3A_699 = vector.broadcast %jit3A_698 : f32 to vector<512x128xf32>
      %select_n3A_700 = arith.select %lt3A_697, %broadcast_in_dim3A_699, %concatenate3A_693 : vector<512x128xi1>, vector<512x128xf32>
      %max3A_701 = arith.maximumf %max3A_690, %select_n3A_700 : vector<512x128xf32>
      %slice3A_702 = vector.extract_strided_slice %max3A_701 {offsets = [0, 64], sizes = [512, 64], strides = [1, 1]} : vector<512x128xf32> to vector<512x64xf32>
      %slice3A_703 = vector.extract_strided_slice %max3A_701 {offsets = [0, 0], sizes = [512, 64], strides = [1, 1]} : vector<512x128xf32> to vector<512x64xf32>
      %concatenate3A_704 = tpu.concatenate %slice3A_702, %slice3A_703 in 1 : vector<512x64xf32>, vector<512x64xf32> -> vector<512x128xf32>
      %iota3A_705 = tpu.iota {dimensions = array<i32: 1>} : vector<512x128xi32>
      %lt3A_706 = arith.constant 64 : i32
      %lt3A_707 = vector.broadcast %lt3A_706 : i32 to vector<512x128xi32>
      %lt3A_708 = arith.cmpi slt, %iota3A_705, %lt3A_707 : vector<512x128xi32>
      %jit3A_709 = arith.constant -3.000000e+38 : f32
      %broadcast_in_dim3A_710 = vector.broadcast %jit3A_709 : f32 to vector<512x128xf32>
      %select_n3A_711 = arith.select %lt3A_708, %broadcast_in_dim3A_710, %concatenate3A_704 : vector<512x128xi1>, vector<512x128xf32>
      %max3A_712 = arith.maximumf %max3A_701, %select_n3A_711 : vector<512x128xf32>
      %add3A_713 = arith.addf %dot_general3A_620, %max3A_712 : vector<512x128xf32>
      %get3A_714 = arith.constant 0 : index
      %get3A_715 = arith.constant 896 : index
      %get3A_716 = vector.load %arg2[%get3A_714, %get3A_715] : memref<512x1024xf32, #tpu.memory_space<vmem>>, vector<512x128xf32>
      %mul3A_717 = arith.constant 5.000000e-01 : f32
      %mul3A_718 = vector.broadcast %mul3A_717 : f32 to vector<512x128xf32>
      %mul3A_719 = arith.mulf %mul3A_718, %get3A_716 : vector<512x128xf32>
      %dot_general3A_720 = arith.constant dense<0.000000e+00> : vector<512x128xf32>
      %dot_general3A_721 = tpu.matmul %mul3A_719, %get3A_1, %dot_general3A_720 {dimension_numbers = #tpu.dot_dimension_numbers<[1], [0], [0], [1], [0, 0, 1, 1], [], []>, transpose_lhs_hint = false} : vector<512x128xf32>, vector<128x128xf32>, vector<512x128xf32> -> vector<512x128xf32>
      %add3A_722 = arith.addf %add3A_713, %mul3A_618 : vector<512x128xf32>
      %add3A_723 = arith.addf %add3A_722, %mul3A_719 : vector<512x128xf32>
      %slice3A_724 = vector.extract_strided_slice %add3A_722 {offsets = [0, 127], sizes = [512, 1], strides = [1, 1]} : vector<512x128xf32> to vector<512x1xf32>
      %slice3A_725 = vector.extract_strided_slice %add3A_722 {offsets = [0, 0], sizes = [512, 127], strides = [1, 1]} : vector<512x128xf32> to vector<512x127xf32>
      %concatenate3A_726 = tpu.concatenate %slice3A_724, %slice3A_725 in 1 : vector<512x1xf32>, vector<512x127xf32> -> vector<512x128xf32>
      %iota3A_727 = tpu.iota {dimensions = array<i32: 1>} : vector<512x128xi32>
      %lt3A_728 = arith.constant 1 : i32
      %lt3A_729 = vector.broadcast %lt3A_728 : i32 to vector<512x128xi32>
      %lt3A_730 = arith.cmpi slt, %iota3A_727, %lt3A_729 : vector<512x128xi32>
      %jit3A_731 = arith.constant -3.000000e+38 : f32
      %broadcast_in_dim3A_732 = vector.broadcast %jit3A_731 : f32 to vector<512x128xf32>
      %select_n3A_733 = arith.select %lt3A_730, %broadcast_in_dim3A_732, %concatenate3A_726 : vector<512x128xi1>, vector<512x128xf32>
      %add3A_734 = arith.addf %select_n3A_733, %mul3A_719 : vector<512x128xf32>
      %max3A_735 = arith.maximumf %add3A_723, %add3A_734 : vector<512x128xf32>
      %sub3A_736 = arith.subf %max3A_735, %dot_general3A_721 : vector<512x128xf32>
      %slice3A_737 = vector.extract_strided_slice %sub3A_736 {offsets = [0, 127], sizes = [512, 1], strides = [1, 1]} : vector<512x128xf32> to vector<512x1xf32>
      %slice3A_738 = vector.extract_strided_slice %sub3A_736 {offsets = [0, 0], sizes = [512, 127], strides = [1, 1]} : vector<512x128xf32> to vector<512x127xf32>
      %concatenate3A_739 = tpu.concatenate %slice3A_737, %slice3A_738 in 1 : vector<512x1xf32>, vector<512x127xf32> -> vector<512x128xf32>
      %iota3A_740 = tpu.iota {dimensions = array<i32: 1>} : vector<512x128xi32>
      %lt3A_741 = arith.constant 1 : i32
      %lt3A_742 = vector.broadcast %lt3A_741 : i32 to vector<512x128xi32>
      %lt3A_743 = arith.cmpi slt, %iota3A_740, %lt3A_742 : vector<512x128xi32>
      %jit3A_744 = arith.constant -3.000000e+38 : f32
      %broadcast_in_dim3A_745 = vector.broadcast %jit3A_744 : f32 to vector<512x128xf32>
      %select_n3A_746 = arith.select %lt3A_743, %broadcast_in_dim3A_745, %concatenate3A_739 : vector<512x128xi1>, vector<512x128xf32>
      %max3A_747 = arith.maximumf %sub3A_736, %select_n3A_746 : vector<512x128xf32>
      %slice3A_748 = vector.extract_strided_slice %max3A_747 {offsets = [0, 126], sizes = [512, 2], strides = [1, 1]} : vector<512x128xf32> to vector<512x2xf32>
      %slice3A_749 = vector.extract_strided_slice %max3A_747 {offsets = [0, 0], sizes = [512, 126], strides = [1, 1]} : vector<512x128xf32> to vector<512x126xf32>
      %concatenate3A_750 = tpu.concatenate %slice3A_748, %slice3A_749 in 1 : vector<512x2xf32>, vector<512x126xf32> -> vector<512x128xf32>
      %iota3A_751 = tpu.iota {dimensions = array<i32: 1>} : vector<512x128xi32>
      %lt3A_752 = arith.constant 2 : i32
      %lt3A_753 = vector.broadcast %lt3A_752 : i32 to vector<512x128xi32>
      %lt3A_754 = arith.cmpi slt, %iota3A_751, %lt3A_753 : vector<512x128xi32>
      %jit3A_755 = arith.constant -3.000000e+38 : f32
      %broadcast_in_dim3A_756 = vector.broadcast %jit3A_755 : f32 to vector<512x128xf32>
      %select_n3A_757 = arith.select %lt3A_754, %broadcast_in_dim3A_756, %concatenate3A_750 : vector<512x128xi1>, vector<512x128xf32>
      %max3A_758 = arith.maximumf %max3A_747, %select_n3A_757 : vector<512x128xf32>
      %slice3A_759 = vector.extract_strided_slice %max3A_758 {offsets = [0, 124], sizes = [512, 4], strides = [1, 1]} : vector<512x128xf32> to vector<512x4xf32>
      %slice3A_760 = vector.extract_strided_slice %max3A_758 {offsets = [0, 0], sizes = [512, 124], strides = [1, 1]} : vector<512x128xf32> to vector<512x124xf32>
      %concatenate3A_761 = tpu.concatenate %slice3A_759, %slice3A_760 in 1 : vector<512x4xf32>, vector<512x124xf32> -> vector<512x128xf32>
      %iota3A_762 = tpu.iota {dimensions = array<i32: 1>} : vector<512x128xi32>
      %lt3A_763 = arith.constant 4 : i32
      %lt3A_764 = vector.broadcast %lt3A_763 : i32 to vector<512x128xi32>
      %lt3A_765 = arith.cmpi slt, %iota3A_762, %lt3A_764 : vector<512x128xi32>
      %jit3A_766 = arith.constant -3.000000e+38 : f32
      %broadcast_in_dim3A_767 = vector.broadcast %jit3A_766 : f32 to vector<512x128xf32>
      %select_n3A_768 = arith.select %lt3A_765, %broadcast_in_dim3A_767, %concatenate3A_761 : vector<512x128xi1>, vector<512x128xf32>
      %max3A_769 = arith.maximumf %max3A_758, %select_n3A_768 : vector<512x128xf32>
      %slice3A_770 = vector.extract_strided_slice %max3A_769 {offsets = [0, 120], sizes = [512, 8], strides = [1, 1]} : vector<512x128xf32> to vector<512x8xf32>
      %slice3A_771 = vector.extract_strided_slice %max3A_769 {offsets = [0, 0], sizes = [512, 120], strides = [1, 1]} : vector<512x128xf32> to vector<512x120xf32>
      %concatenate3A_772 = tpu.concatenate %slice3A_770, %slice3A_771 in 1 : vector<512x8xf32>, vector<512x120xf32> -> vector<512x128xf32>
      %iota3A_773 = tpu.iota {dimensions = array<i32: 1>} : vector<512x128xi32>
      %lt3A_774 = arith.constant 8 : i32
      %lt3A_775 = vector.broadcast %lt3A_774 : i32 to vector<512x128xi32>
      %lt3A_776 = arith.cmpi slt, %iota3A_773, %lt3A_775 : vector<512x128xi32>
      %jit3A_777 = arith.constant -3.000000e+38 : f32
      %broadcast_in_dim3A_778 = vector.broadcast %jit3A_777 : f32 to vector<512x128xf32>
      %select_n3A_779 = arith.select %lt3A_776, %broadcast_in_dim3A_778, %concatenate3A_772 : vector<512x128xi1>, vector<512x128xf32>
      %max3A_780 = arith.maximumf %max3A_769, %select_n3A_779 : vector<512x128xf32>
      %slice3A_781 = vector.extract_strided_slice %max3A_780 {offsets = [0, 112], sizes = [512, 16], strides = [1, 1]} : vector<512x128xf32> to vector<512x16xf32>
      %slice3A_782 = vector.extract_strided_slice %max3A_780 {offsets = [0, 0], sizes = [512, 112], strides = [1, 1]} : vector<512x128xf32> to vector<512x112xf32>
      %concatenate3A_783 = tpu.concatenate %slice3A_781, %slice3A_782 in 1 : vector<512x16xf32>, vector<512x112xf32> -> vector<512x128xf32>
      %iota3A_784 = tpu.iota {dimensions = array<i32: 1>} : vector<512x128xi32>
      %lt3A_785 = arith.constant 16 : i32
      %lt3A_786 = vector.broadcast %lt3A_785 : i32 to vector<512x128xi32>
      %lt3A_787 = arith.cmpi slt, %iota3A_784, %lt3A_786 : vector<512x128xi32>
      %jit3A_788 = arith.constant -3.000000e+38 : f32
      %broadcast_in_dim3A_789 = vector.broadcast %jit3A_788 : f32 to vector<512x128xf32>
      %select_n3A_790 = arith.select %lt3A_787, %broadcast_in_dim3A_789, %concatenate3A_783 : vector<512x128xi1>, vector<512x128xf32>
      %max3A_791 = arith.maximumf %max3A_780, %select_n3A_790 : vector<512x128xf32>
      %slice3A_792 = vector.extract_strided_slice %max3A_791 {offsets = [0, 96], sizes = [512, 32], strides = [1, 1]} : vector<512x128xf32> to vector<512x32xf32>
      %slice3A_793 = vector.extract_strided_slice %max3A_791 {offsets = [0, 0], sizes = [512, 96], strides = [1, 1]} : vector<512x128xf32> to vector<512x96xf32>
      %concatenate3A_794 = tpu.concatenate %slice3A_792, %slice3A_793 in 1 : vector<512x32xf32>, vector<512x96xf32> -> vector<512x128xf32>
      %iota3A_795 = tpu.iota {dimensions = array<i32: 1>} : vector<512x128xi32>
      %lt3A_796 = arith.constant 32 : i32
      %lt3A_797 = vector.broadcast %lt3A_796 : i32 to vector<512x128xi32>
      %lt3A_798 = arith.cmpi slt, %iota3A_795, %lt3A_797 : vector<512x128xi32>
      %jit3A_799 = arith.constant -3.000000e+38 : f32
      %broadcast_in_dim3A_800 = vector.broadcast %jit3A_799 : f32 to vector<512x128xf32>
      %select_n3A_801 = arith.select %lt3A_798, %broadcast_in_dim3A_800, %concatenate3A_794 : vector<512x128xi1>, vector<512x128xf32>
      %max3A_802 = arith.maximumf %max3A_791, %select_n3A_801 : vector<512x128xf32>
      %slice3A_803 = vector.extract_strided_slice %max3A_802 {offsets = [0, 64], sizes = [512, 64], strides = [1, 1]} : vector<512x128xf32> to vector<512x64xf32>
      %slice3A_804 = vector.extract_strided_slice %max3A_802 {offsets = [0, 0], sizes = [512, 64], strides = [1, 1]} : vector<512x128xf32> to vector<512x64xf32>
      %concatenate3A_805 = tpu.concatenate %slice3A_803, %slice3A_804 in 1 : vector<512x64xf32>, vector<512x64xf32> -> vector<512x128xf32>
      %iota3A_806 = tpu.iota {dimensions = array<i32: 1>} : vector<512x128xi32>
      %lt3A_807 = arith.constant 64 : i32
      %lt3A_808 = vector.broadcast %lt3A_807 : i32 to vector<512x128xi32>
      %lt3A_809 = arith.cmpi slt, %iota3A_806, %lt3A_808 : vector<512x128xi32>
      %jit3A_810 = arith.constant -3.000000e+38 : f32
      %broadcast_in_dim3A_811 = vector.broadcast %jit3A_810 : f32 to vector<512x128xf32>
      %select_n3A_812 = arith.select %lt3A_809, %broadcast_in_dim3A_811, %concatenate3A_805 : vector<512x128xi1>, vector<512x128xf32>
      %max3A_813 = arith.maximumf %max3A_802, %select_n3A_812 : vector<512x128xf32>
      %add3A_814 = arith.addf %dot_general3A_721, %max3A_813 : vector<512x128xf32>
      %swap3A_815 = arith.constant 0 : index
      %swap3A_816 = arith.constant 0 : index
      %swap3A_817 = vector.load %arg5[%swap3A_815, %swap3A_816] : memref<512x128xf32, #tpu.memory_space<vmem>>, vector<512x128xf32>
      tpu.vector_store %arg5[%swap3A_815, %swap3A_816], %add3A_814 {strides = array<i32>} : memref<512x128xf32, #tpu.memory_space<vmem>>, vector<512x128xf32>,
      %swap3A_818 = arith.constant 0 : index
      %swap3A_819 = arith.constant 0 : index
      %swap3A_820 = vector.load %arg6[%swap3A_818, %swap3A_819] : memref<512x128xf32, #tpu.memory_space<vmem>>, vector<512x128xf32>
      tpu.vector_store %arg6[%swap3A_818, %swap3A_819], %mul3A_719 {strides = array<i32>} : memref<512x128xf32, #tpu.memory_space<vmem>>, vector<512x128xf32>,
    } else {
    }
    %get3A_8 = arith.constant 0 : index
    %get3A_9 = arith.constant 127 : index
    %get3A_10 = vector.load %arg5[%get3A_8, %get3A_9] : memref<512x128xf32, #tpu.memory_space<vmem>>, vector<512x1xf32>
    %swap3A = arith.constant 0 : index
    %swap3A_11 = arith.constant 0 : index
    %swap3A_12 = vector.load %arg4[%swap3A, %swap3A_11] : memref<512x1xf32, #tpu.memory_space<vmem>>, vector<512x1xf32>
    tpu.vector_store %arg4[%swap3A, %swap3A_11], %get3A_10 {strides = array<i32>} : memref<512x1xf32, #tpu.memory_space<vmem>>, vector<512x1xf32>,
    return
  }
  func.func @transform_0(%arg0: i32, %arg1: i32) -> (i32, i32) {
    %c0_i32 = arith.constant 0 : i32
    return %arg0, %arg1 : i32, i32
  }
  func.func @transform_1(%arg0: i32, %arg1: i32) -> (i32, i32) {
    %c0_i32 = arith.constant 0 : i32
    %c0_i32_0 = arith.constant 0 : i32
    %c0_i32_1 = arith.constant 0 : i32
    return %c0_i32, %c0_i32_0 : i32, i32
  }
  func.func @transform_2(%arg0: i32, %arg1: i32) -> (i32, i32) {
    %c0_i32 = arith.constant 0 : i32
    %c0_i32_0 = arith.constant 0 : i32
    return %arg0, %c0_i32 : i32, i32
  }
}

</mosaic_0001>

<sc_bundles>
// kernel: sparse-core-data-format-call.cloned.1.call-start
scs
called_computation_lowered:
.L_overlay_start_0:
0x0: {  	s2 =	sld [smem:$0x3FD9]  }
0x1: {  	s3 =	sld [smem:$0x3FFE];
	_ =	sdelay $0x1  }
0x2: {  	s1 =	srdreg.scid  }
0x3: {  	s0 =	sand.u32 $0x1, s1  }
0x4: {  	s18 =	sshll.u32 s0, $0xA;
	s2 =	sadd.s32 s3, s2  }
0x5: {  	s2 =	sadd.s32 s2, s18  }
0x6: {  	[smem:$0x3FC7] =	sst s2  }
0x7: {  	_ = 	snop  }
0x8: {  	s2 =	sld [smem:$0x3FC9];
	(tm) =	ssettm $0x1  }
0x9: {  	s19 =	sld [smem:$0x3FFB];
	_ =	sdelay $0x3  }
0xa: {  	_ =	strace s19  }
0xb: {  	s3 =	sld [smem:$0x3FFC];
	_ =	sdelay $0x3  }
0xc: {  	_ =	strace s3  }
0xd: {  	s3 =	sld [smem:$0x3FFD];
	_ =	sdelay $0x3  }
0xe: {  	_ =	strace s3  }
0xf: {  	_ =	strace $0x8FFFFFFF  }
0x10: {  	s20 =	sld [smem:$0x3FDB];
	_ =	sdelay $0x1  }
0x11: {  	s4 =	simm.s32 $_scs_section_size  }
0x12: {  	s5 =	simm.s32 $_size__tile_overlayer_lowered;
	s6 =	simm.s32 $_tile_overlayer_lowered  }
0x13: {  	s23 =	simm.s32 $0x1BFF;
	s22 =	sshll.u32 s6, $0x1;
	s3 =	sadd.s32 s4, s20  }
0x14: {  	s7 =	simm.s32 $0x0;
	s21 =	sshll.u32 s5, $0x1;
	s5 =	sadd.s32 s22, s3  }
0x15: {  	[timem:s7], [sflag:s23] =	dma.local [hbm:s5], s21  }
0x16: {  	_ =	swait.ge [sflag:s23], s21  }
0x17: {  	s4 =	ssub.s32 $0x0, s21;
	[sflag:s23] =	ssyncset.done $0x0  }
0x18: {  	[sflag:s23] =	ssyncadd.s32 s4;
	_ =	sdelay $0x1  }
0x19: {  	s24 =	simm.s32 $0x1B8B  }
0x1a: {  	_ =	swait.ge [sflag:s24], $0x1  }
0x1b: {  	[sflag:s24] =	ssyncset.done $0x0  }
0x1c: {  	s26 =	simm.s32 $0x1B8E;
	s25 =	sld [smem:$0x3FFE];
	[sflag:s24] =	ssyncadd.s32 $0xFFFFFFFF  }
0x1d: {  	s27 =	simm.s32 $execute0_lowered;
	[smem:$0x3FD2] =	sst s26  }
0x1e: {  	s5 =	sshll.u32 s27, $0x1;
	_ =	strace $0x80000046;
	[dreg:$0x1] =	wrdreg $0xFFFFFFFF  }
0x1f: {  	s28 =	simm.s32 $_size_execute0_lowered;
	s3 =	sadd.s32 s3, s5;
	[dreg:$0x0] =	wrdreg $0x0  }
0x20: {  	s5 =	sshll.u32 s28, $0x1;
	[dreg:$0x2] =	wrdreg s3  }
0x21: {  	[dreg:$0x3] =	wrdreg s5  }
0x22: {  	[dreg:$0x4] =	wrdreg $0xC0  }
0x23: {  	_ =	task [dreg:s7], $0x5FFFF  }
0x24: {  	[dreg:$0x1] =	wrdreg $0xFFFFFFFF  }
0x25: {  	[dreg:$0x0] =	wrdreg $0x60  }
0x26: {  	[dreg:$0x2] =	wrdreg s2  }
0x27: {  	[dreg:$0x3] =	wrdreg s25  }
0x28: {  	[dreg:$0x4] =	wrdreg $0x9  }
0x29: {  	_ =	task.clear_ibuf [dreg:s7], $0x5FFFF;
	_ =	strace $0x90000046  }
0x2a: {  	s29 =	simm.s32 $0x9;
	_ =	strace $0x80000048  }
0x2b: {  	_ =	swait.ge [sflag:s29], $0x1  }
0x2c: {  	[sflag:s29] =	ssyncadd.s32 $0xFFFFFFFF  }
0x2d: {  	_ =	strace $0x90000048  }
0x2e: {  	_ =	sfence  }
0x2f: {  	s30 =	sld [smem:$0x0];
	_ =	sdelay $0x2  }
0x30: {  	s31 =	sshll.u32 s1, $0xD;
	s1 =	sshrl.u32 s1, $0x2  }
0x31: {  	s3 =	sand.u32 $0x4000, s31;
	s1 =	sadd.s32 s1, s30  }
0x32: {  	s0 =	sor.u32 s3, s0;
	s1 =	sshll.u32 s1, $0x11  }
0x33: {  	s0 =	sor.u32 s1, s0  }
0x34: {  	s0 =	sadd.s32 $0x8F2B, s0  }
0x35: {  	[sflag:s0] =	ssyncadd.remote.s32 $0x1  }
0x36: {  	_ =	sfence.sel $0xFFFF  }
0x37: {  	[dreg:$0x0] =	wrdreg $0xFFFFFFFF;
	(pc) =	sbr.abs _section_cstart, $3  }
0x38: {  	[dreg:$0x1] =	wrdreg $0xFFFFFFFF  }
0x39: {  	_ =	task.clear_ibuf [dreg:s7], $0x2FFFF;
	_ =	strace $0x9FFFFFFF  }
0x3a: {  	(tm) =	ssettm $0x7FFFFFFF  }
0x3b: {  	_ =	shalt  }
tec
execute0_lowered:
.L_overlay_start_1:
0x0: {  	(tag) =	ssettag $0x1  }
0x1: {  	s2 =	rddreg [dreg:$0x0]  }
0x2: {  	s3 =	rddreg [dreg:$0x1]  }
0x3: {  	s0 =	rddreg [dreg:$0x2];
	_ =	strace $0x80000047  }
0x4: {  	s4 =	srdreg.scid;
	s1 =	stileid.u32;
	s6 =	simm.s32 $0x2  }
.Ltmp0:
0x5: {  	s11 =	simm.s32 $0x0;
	p0 =	por $0x0, $0x0;
	(pc) =	sbr.rel .LBB1_1-.Ltmp0, $4  }
0x6: {  	s7 =	simm.s32 $0x400;
	s12 =	simm.s32 $0x0;
	s5 =	sshll.u32 s4, $0x4  }
0x7: {  	s9 =	simm.s32 $0x0;
	s4 =	simm.s32 $0x1;
	s5 =	sand.u32 $0x10, s5  }
0x8: {  	s8 =	simm.s32 $0x0;
	[sflag:s4] =	ssyncpa.u1 $0x0;
	s5 =	sor.u32 s1, s5  }
0x9: {  	[sflag:s6] =	ssyncpa.u1 $0x0;
	s6 =	simm.s32 $0x80;
	s10 =	smov.u32 s5  }
.LBB1_5:
0xa: {  	s13 =	sadd.s32 $0x1, s9  }
0xb: {  	s11 =	sadd.s32 $0x20, s10;
	s15 =	smov.u32 s10;
	p2 =	sgt.s32 s13, $0x7  }
0xc: {  	p1 =	slt.u32 s8, $0x2;
	s15 =	smov.u32 @p2 s11  }
0xd: {  	s8 =	sadd.s32 $0x1, s8;
	s13 =	simm.s32 @p2 $0x0;
	p2 =	sgt.s32 s15, $0x7F  }
0xe: {  	s15 =	smov.u32 @p2 s5;
	p2 =	sne.s32 s8, $0x22  }
.Ltmp1:
0xf: {  	_ = 	snop;
	(pc) =	sbr.rel @!p2 .LBB1_6-.Ltmp1, $4  }
0x10: {  	s14 =	simm.s32 @!p1 $0x2  }
0x11: {  	s12 =	smov.u32 s10;
	_ =	swait.ge @!p1 [sflag:s14], $0x4000  }
0x12: {  	p0 =	por !p0, !p0;
	s11 =	smov.u32 s9;
	[sflag:s14] =	ssyncset.done @!p1 $0x0  }
0x13: {  	s9 =	smov.u32 s13;
	[sflag:s14] =	ssyncadd.s32 @!p1 $0xFFFFC000;
	s10 =	smov.u32 s15  }
.LBB1_1:
0x14: {  	p1 =	sgt.u32 s8, $0x1F  }
0x15: {  	s13 =	sxor.u32 @!p1 $0xFFFFFFFF, s8;
	s14 =	sshll.u32 @!p1 s10, $0xE  }
0x16: {  	s15 =	sshll.u32 @!p1 s9, $0xB;
	s13 =	sshll.u32 @!p1 s13, $0xE;
	s14 =	sadd.s32 @!p1 s2, s14  }
0x17: {  	s13 =	sand.u32 @!p1 $0x4000, s13;
	s14 =	sadd.s32 @!p1 s15, s14;
	s15 =	simm.s32 @!p1 $0x0  }
0x18: {  	[tilespmem:s13], [sflag:$0x1] =	stream.linear.gather @!p1 [hbm4b:s14+s15], $0x4000, $0x38;
	[tilespmem:$0x10000] =	vst v63  }
0x19: {  	p1 =	seq.s32 s8, $0x0  }
0x1a: {  	p2 =	seq.s32 @!p1 s8, $0x21  }
0x1b: {  	p1 =	por p1, p2  }
.Ltmp2:
0x1c: {  	_ = 	snop;
	(pc) =	sbr.rel @p1 .LBB1_5-.Ltmp2, $1  }
0x1d: {  	_ =	sdelay $0x3  }
0x1e: {  	s13 =	simm.s32 $0x1  }
0x1f: {  	s13 =	simm.s32 @!p0 $0x0  }
0x20: {  	s13 =	sshll.u32 s13, $0xE  }
0x21: {  	s14 =	sor.u32 $0x40, s13  }
0x22: {  	v1 =	vmov s14;
	_ =	sdelay $0x1  }
0x23: {  	_ =	swait.ge [sflag:s4], $0x4000  }
0x24: {  	[sflag:s4] =	ssyncset.done $0x0  }
0x25: {  	[sflag:s4] =	ssyncadd.s32 $0xFFFFC000;
	s14 =	simm.s32 $0x0  }
0x26: {  	s13 =	sor.u32 $0x8070, s13;
	v7 =	vld.idx.msk [tilespmem:v1+s14+$0x30 ss:$0x1], $0xffff  }
0x27: {  	v0 =	vmov s13;
	v8 =	vld.idx.msk [tilespmem:v1+s14+$0xFFFFFFC0 ss:$0x1], $0xffff  }
0x28: {  	v6 =	vld.idx.msk [tilespmem:v1+s14+$0xFFFFFFD0 ss:$0x1], $0xffff  }
0x29: {  	v4 =	vld.idx.msk [tilespmem:v1+s14+$0xFFFFFFE0 ss:$0x1], $0xffff  }
0x2a: {  	v2 =	vld.idx.msk [tilespmem:v1+s14+$0xFFFFFFF0 ss:$0x1], $0xffff  }
0x2b: {  	s31 =	sshll.u32 s8, $0xE;
	v3 =	vld.idx.msk [tilespmem:v1+s14+$0x0 ss:$0x1], $0xffff  }
0x2c: {  	s13 =	sand.u32 $0x4000, s31;
	v5 =	vld.idx.msk [tilespmem:v1+s14+$0x10 ss:$0x1], $0xffff;
	[tilespmem:v0+s14+$0x0 ss:$0x1] =	vst.idx.msk $0xffff, v7  }
0x2d: {  	s15 =	simm.s32 $0x80;
	s16 =	simm.s32 $0x400;
	s13 =	sor.u32 $0x8000, s13;
	[tilespmem:v0+s14+$0xFFFFFF90 ss:$0x1] =	vst.idx.msk $0xffff, v8;
	v7 =	vld.idx.msk [tilespmem:v1+s14+$0x20 ss:$0x1], $0xffff  }
.LBB1_3:
0x2e: {  	p1 =	sne.s32 s16, $0xFE00;
	v8 =	vld.idx.msk [tilespmem:v1+s15+$0x30 ss:$0x1], $0xffff;
	[tilespmem:v0+s14+$0xFFFFFFA0 ss:$0x1] =	vst.idx.msk $0xffff, v6  }
0x2f: {  	v9 =	vld.idx.msk [tilespmem:v1+s15+$0xFFFFFFC0 ss:$0x1], $0xffff;
	[tilespmem:v0+s14+$0xFFFFFFB0 ss:$0x1] =	vst.idx.msk $0xffff, v4  }
0x30: {  	v6 =	vld.idx.msk [tilespmem:v1+s15+$0xFFFFFFD0 ss:$0x1], $0xffff;
	[tilespmem:v0+s14+$0xFFFFFFC0 ss:$0x1] =	vst.idx.msk $0xffff, v2  }
.Ltmp3:
0x31: {  	v4 =	vld.idx.msk [tilespmem:v1+s15+$0xFFFFFFE0 ss:$0x1], $0xffff;
	[tilespmem:v0+s14+$0xFFFFFFD0 ss:$0x1] =	vst.idx.msk $0xffff, v3;
	(pc) =	sbr.rel @p1 .LBB1_3-.Ltmp3, $4  }
0x32: {  	v2 =	vld.idx.msk [tilespmem:v1+s15+$0xFFFFFFF0 ss:$0x1], $0xffff;
	[tilespmem:v0+s14+$0xFFFFFFE0 ss:$0x1] =	vst.idx.msk $0xffff, v5  }
0x33: {  	v3 =	vld.idx.msk [tilespmem:v1+s15+$0x0 ss:$0x1], $0xffff;
	[tilespmem:v0+s14+$0xFFFFFFF0 ss:$0x1] =	vst.idx.msk $0xffff, v7;
	s14 =	smov.u32 s15  }
0x34: {  	v5 =	vld.idx.msk [tilespmem:v1+s14+$0x10 ss:$0x1], $0xffff;
	[tilespmem:v0+s14+$0x0 ss:$0x1] =	vst.idx.msk $0xffff, v8  }
0x35: {  	s15 =	sshra.s32 s16, $0x2;
	s16 =	sadd.s32 $0x200, s16;
	[tilespmem:v0+s14+$0xFFFFFF90 ss:$0x1] =	vst.idx.msk $0xffff, v9;
	v7 =	vld.idx.msk [tilespmem:v1+s14+$0x20 ss:$0x1], $0xffff  }
0x36: {  	_ =	sdelay $0x3  }
0x37: {  	[tilespmem:v0+s14+$0xFFFFFFA0 ss:$0x1] =	vst.idx.msk $0xffff, v6  }
0x38: {  	v56 =	vld.idx.msk [tilespmem:v1+s15+$0x30 ss:$0x1], $0xffff;
	[tilespmem:v0+s14+$0xFFFFFFB0 ss:$0x1] =	vst.idx.msk $0xffff, v4  }
0x39: {  	v57 =	vld.idx.msk [tilespmem:v1+s15+$0xFFFFFFC0 ss:$0x1], $0xffff;
	[tilespmem:v0+s14+$0xFFFFFFC0 ss:$0x1] =	vst.idx.msk $0xffff, v2  }
0x3a: {  	v58 =	vld.idx.msk [tilespmem:v1+s15+$0xFFFFFFD0 ss:$0x1], $0xffff;
	[tilespmem:v0+s14+$0xFFFFFFD0 ss:$0x1] =	vst.idx.msk $0xffff, v3  }
0x3b: {  	v59 =	vld.idx.msk [tilespmem:v1+s15+$0xFFFFFFE0 ss:$0x1], $0xffff;
	[tilespmem:v0+s14+$0xFFFFFFE0 ss:$0x1] =	vst.idx.msk $0xffff, v5  }
0x3c: {  	v60 =	vld.idx.msk [tilespmem:v1+s15+$0xFFFFFFF0 ss:$0x1], $0xffff;
	[tilespmem:v0+s14+$0xFFFFFFF0 ss:$0x1] =	vst.idx.msk $0xffff, v7  }
0x3d: {  	v61 =	vld.idx.msk [tilespmem:v1+s15+$0x0 ss:$0x1], $0xffff;
	[tilespmem:v0+s15+$0x0 ss:$0x1] =	vst.idx.msk $0xffff, v56  }
0x3e: {  	v62 =	vld.idx.msk [tilespmem:v1+s15+$0x10 ss:$0x1], $0xffff;
	[tilespmem:v0+s15+$0xFFFFFF90 ss:$0x1] =	vst.idx.msk $0xffff, v57  }
0x3f: {  	v63 =	vld.idx.msk [tilespmem:v1+s15+$0x20 ss:$0x1], $0xffff;
	[tilespmem:v0+s15+$0xFFFFFFA0 ss:$0x1] =	vst.idx.msk $0xffff, v58  }
0x40: {  	[tilespmem:v0+s15+$0xFFFFFFB0 ss:$0x1] =	vst.idx.msk $0xffff, v59  }
.Ltmp4:
0x41: {  	[tilespmem:v0+s15+$0xFFFFFFC0 ss:$0x1] =	vst.idx.msk $0xffff, v60;
	(pc) =	sbr.rel .LBB1_5-.Ltmp4, $4  }
0x42: {  	s12 =	sshll.u32 s12, $0xE;
	s11 =	sshll.u32 s11, $0x4;
	[tilespmem:v0+s15+$0xFFFFFFD0 ss:$0x1] =	vst.idx.msk $0xffff, v61  }
0x43: {  	s11 =	sand.u32 $0x70, s11;
	s12 =	sadd.s32 s3, s12;
	[tilespmem:v0+s15+$0xFFFFFFE0 ss:$0x1] =	vst.idx.msk $0xffff, v62  }
0x44: {  	s11 =	sadd.s32 s11, s12;
	[tilespmem:v0+s15+$0xFFFFFFF0 ss:$0x1] =	vst.idx.msk $0xffff, v63  }
0x45: {  	[hbm4b:s11+s6] =	stream.strided.scatter [tilespmem:s13], [sflag:$0x2], $0x4000, s7, s6, $0x38;
	[tilespmem:$0x10000] =	vst v63  }
.LBB1_6:
0x46: {  	_ =	sfence.sel $0x180000  }
0x47: {  	s2 =	simm.s32 $0x1;
	[bflag:$0x0] =	sbarrier.arrive $0xFFFF  }
0x48: {  	s31 =	simm.s32 $0x2;
	[sflag:s2] =	ssyncpa.u1 $0x1  }
0x49: {  	[sflag:s31] =	ssyncpa.u1 $0x1  }
0x4a: {  	p0 =	sne.s32 s1, $0x0;
	_ =	strace $0x90000047  }
0x4b: {  	s0 =	sadd.s32 @!p0 $0x100000, s0;
	[bflag:$0x2] =	sbarrier.arrive $0xFFFF  }
0x4c: {  	[sflag:s0] =	ssyncadd.tile.s32 @!p0 $0x1;
	_ =	shalt  }
.Lfunc_end1:
_tile_overlayer_lowered:
.L_overlay_start_2:
0x4d: {  	(tag) =	ssettag $0x2  }
0x4e: {  	s0 =	rddreg [dreg:$0x0];
	s2 =	stileid.u32  }
0x4f: {  	s1 =	rddreg [dreg:$0x1];
	p0 =	sne.s32 s2, $0x0  }
0x50: {  	s3 =	rddreg [dreg:$0x2];
	[bflag:$0x3] =	sbarrier.arrive $0xFFFF;
	s2 =	simm.s32 @!p0 $0x1C01  }
0x51: {  	[timem:s3], [sflag:s2] =	dma.local @!p0 [hbm:s0], s1  }
0x52: {  	s0 =	simm.s32 @!p0 $0x1  }
0x53: {  	_ =	swait.ge @!p0 [sflag:s0], s1  }
0x54: {  	s1 =	ssub.s32 @!p0 $0x0, s1;
	[sflag:s0] =	ssyncset.done @!p0 $0x0  }
0x55: {  	[sflag:s0] =	ssyncadd.s32 @!p0 s1  }
0x56: {  	[bflag:$0x3] =	sbarrier.arrive $0xFFFF  }
0x57: {  	_ =	shalt  }

</sc_bundles>
